<compile_context>
chip_gen: v7x
topology: tpu7x:2x2x1
jax: 0.10.2.dev20260603
libtpu: 0.0.44.dev20260713+nightly
codegen_flags: <defaults>
</compile_context>

<pallas_src>
import jax
import jax.numpy as jnp
from jax import lax
from jax.experimental import pallas as pl
from jax.experimental.pallas import tpu as pltpu
from jax.experimental.pallas import tpu_sc as plsc

VOCAB = 100000
SEQ = 2048
DIM = 128
BATCH = 16

NC = 2
NS = 16
NW = NC * NS
LANES = 16
VPR = DIM // LANES

PW = SEQ // NW
BPS = 2
STEPS = BATCH // BPS
RPS = BPS * PW
NBUF = 4
PRIME = 3
OUTER = STEPS // NBUF


def _add_pos(rows_v, pos_v, k):

    @plsc.parallel_loop(0, RPS, step=1, unroll=4)
    def _(r):
        prow = lax.rem(r, PW)
        for u in range(VPR):
            off = u * LANES
            x = pos_v[prow, pl.ds(off, LANES)]
            plsc.addupdate(rows_v.at[k, r, pl.ds(off, LANES)], x)


def _body(vals_hbm, tok_hbm, pos_hbm, out_hbm, idx_v, pos_v, rows_v,
          gsem, ssem):
    cid = lax.axis_index("c")
    sid = lax.axis_index("s")
    wid = sid * NC + cid
    p0 = wid * PW

    p0_al = pl.multiple_of((wid // 2) * (2 * PW), 2 * PW)
    col = lax.rem(p0, 2 * PW)
    icp = pltpu.async_copy(vals_hbm.at[:, pl.ds(p0_al, 2 * PW)], idx_v, gsem)
    pltpu.sync_copy(pos_hbm.at[pl.ds(p0, PW)], pos_v)
    icp.wait()

    def start_gather(s, k):
        for j in range(BPS):
            b = s * BPS + j
            pltpu.async_copy(
                tok_hbm.at[idx_v.at[b, pl.ds(col, PW)]],
                rows_v.at[k, pl.ds(j * PW, PW)], gsem)

    def start_store(s, k):
        for j in range(BPS):
            b = s * BPS + j
            pltpu.async_copy(
                rows_v.at[k, pl.ds(j * PW, PW)],
                out_hbm.at[pl.ds(b * SEQ + p0, PW)], ssem)

    def wait_gather(k):
        for j in range(BPS):
            pltpu.make_async_copy(
                tok_hbm.at[pl.ds(0, PW)],
                rows_v.at[k, pl.ds(j * PW, PW)], gsem).wait()

    def wait_store(k):
        for j in range(BPS):
            pltpu.make_async_copy(
                rows_v.at[k, pl.ds(j * PW, PW)],
                out_hbm.at[pl.ds(0, PW)], ssem).wait()

    for s in range(PRIME):
        start_gather(s, s % NBUF)

    def outer(o, _):
        s0 = o * NBUF
        for i in range(NBUF):
            s = s0 + i
            wait_gather(i)
            _add_pos(rows_v, pos_v, i)
            start_store(s, i)
            ns = s + PRIME

            @pl.when(ns < STEPS)
            def _():
                @pl.when(s >= 1)
                def _():
                    wait_store((i - 1) % NBUF)

                start_gather(ns, (i + PRIME) % NBUF)
        return 0

    lax.fori_loop(0, OUTER, outer, 0)

    for i in range(NBUF):
        wait_store(i)


@jax.jit
def kernel(values, tok_table, pos_table):
    vals = values.astype(jnp.int32)
    mesh = plsc.VectorSubcoreMesh(core_axis_name="c", subcore_axis_name="s")
    out = pl.kernel(
        _body,
        out_type=jax.ShapeDtypeStruct((BATCH * SEQ, DIM), jnp.float32),
        mesh=mesh,
        scratch_types=[
            pltpu.VMEM((BATCH, 2 * PW), jnp.int32),
            pltpu.VMEM((PW, DIM), jnp.float32),
            pltpu.VMEM((NBUF, RPS, DIM), jnp.float32),
            pltpu.SemaphoreType.DMA,
            pltpu.SemaphoreType.DMA,
        ],
    )(vals, tok_table, pos_table)
    return out.reshape(BATCH, SEQ, DIM)

# --- scband reference (transcript-rebuilt; emitter-appended) ---
"""Pipeline reference for scband-token-and-position-embedding-54314156425383 (READ-ONLY COPY).

The authoritative reference and input builder live on the scoring server;
editing this copy changes nothing except your own understanding.
"""

import jax, jax.numpy as jnp
import numpy as np

VOCAB_SIZE = 100000
CONTEXT_SIZE = 2048
EMBED_SIZE = 128
BATCH = 16

def setup_inputs(seed: int = 0) -> dict:
    key = jax.random.key(seed)
    k1, k2, k3 = jax.random.split(key, 3)
    values = jax.random.randint(k1, (BATCH, CONTEXT_SIZE), 0, VOCAB_SIZE, dtype=jnp.int64 if jax.config.read('jax_enable_x64') else jnp.int32)
    tok_table = jax.random.normal(k2, (VOCAB_SIZE, EMBED_SIZE), dtype=jnp.float32) * 0.05
    pos_table = jax.random.normal(k3, (CONTEXT_SIZE, EMBED_SIZE), dtype=jnp.float32) * 0.05
    return {"values": values, "tok_table": tok_table, "pos_table": pos_table}

def reference(values, tok_table, pos_table):
    # tok_embedding(values): gather rows of the token table
    tok = jnp.take(tok_table, values, axis=0)            # [B, S, D]
    # pos_embedding(range(context_size)): gather all position rows
    positions = jnp.arange(CONTEXT_SIZE)
    pos = jnp.take(pos_table, positions, axis=0)          # [S, D]
    # broadcast-add over batch, matching Keras layer semantics
    return tok + pos[None, :, :]

if __name__ == "__main__":
    import jax
    _d = setup_inputs()
    print(jax.jit(kernel)(*tuple(_d.values())))

</pallas_src>

<mosaic_0001>
#map = affine_map<(d0, d1) -> (0, 0)>
module attributes {stable_mosaic.version = 14 : i64} {
  func.func @_body(%arg0: i32, %arg1: i32, %arg2: memref<16x2048xi32, #tpu.memory_space<hbm>>, %arg3: memref<100000x128xf32, #tpu.memory_space<hbm>>, %arg4: memref<2048x128xf32, #tpu.memory_space<hbm>>, %arg5: memref<32768x128xf32, #tpu.memory_space<hbm>>, %arg6: memref<16x128xi32, #tpu.memory_space<vmem>>, %arg7: memref<64x128xf32, #tpu.memory_space<vmem>>, %arg8: memref<4x128x128xf32, #tpu.memory_space<vmem>>, %arg9: memref<!tpu.dma_semaphore, #tpu.memory_space<semaphore_mem>>, %arg10: memref<!tpu.dma_semaphore, #tpu.memory_space<semaphore_mem>>) attributes {dimension_semantics = [#tpu.dimension_semantics<core_parallel>, #tpu.dimension_semantics<subcore_parallel>], iteration_bounds = array<i64: 2, 16>, scalar_prefetch = 0 : i64, scratch_operands = 5 : i64, tpu.core_type = #tpu.core_type<sc_vector_subcore>, window_params = [{transform_indices = #map}, {transform_indices = #map}, {transform_indices = #map}, {transform_indices = #map}]} {
    %mul3A = arith.constant 2 : i32
    %mul3A_0 = arith.muli %arg1, %mul3A : i32
    %add3A = arith.addi %mul3A_0, %arg0 : i32
    %mul3A_1 = arith.constant 64 : i32
    %mul3A_2 = arith.muli %add3A, %mul3A_1 : i32
    %jit3A = arith.constant 2 : i32
    %div3A = arith.divsi %add3A, %jit3A : i32
    %sign3A = arith.constant 0 : i32
    %sign3A_3 = arith.cmpi sgt, %add3A, %sign3A : i32
    %sign3A_4 = arith.extui %sign3A_3 : i1 to i32
    %sign3A_5 = arith.constant 0 : i32
    %sign3A_6 = arith.cmpi slt, %add3A, %sign3A_5 : i32
    %sign3A_7 = arith.extui %sign3A_6 : i1 to i32
    %sign3A_8 = arith.subi %sign3A_4, %sign3A_7 : i32
    %sign3A_9 = arith.constant 0 : i32
    %sign3A_10 = arith.cmpi sgt, %jit3A, %sign3A_9 : i32
    %sign3A_11 = arith.extui %sign3A_10 : i1 to i32
    %sign3A_12 = arith.constant 0 : i32
    %sign3A_13 = arith.cmpi slt, %jit3A, %sign3A_12 : i32
    %sign3A_14 = arith.extui %sign3A_13 : i1 to i32
    %sign3A_15 = arith.subi %sign3A_11, %sign3A_14 : i32
    %ne3A = arith.cmpi ne, %sign3A_8, %sign3A_15 : i32
    %rem3A = arith.remsi %add3A, %jit3A : i32
    %ne3A_16 = arith.constant 0 : i32
    %ne3A_17 = arith.cmpi ne, %rem3A, %ne3A_16 : i32
    %and3A = arith.andi %ne3A, %ne3A_17 : i1
    %sub3A = arith.constant 1 : i32
    %sub3A_18 = arith.subi %div3A, %sub3A : i32
    %select_n3A = arith.select %and3A, %sub3A_18, %div3A : i32
    %mul3A_19 = arith.constant 128 : i32
    %mul3A_20 = arith.muli %select_n3A, %mul3A_19 : i32
    %multiple_of3A = tpu.assume_multiple %mul3A_20, 128 : i32
    %rem3A_21 = arith.constant 128 : i32
    %rem3A_22 = arith.remsi %mul3A_2, %rem3A_21 : i32
    %dma_start3A = arith.constant 0 : i32
    %dma_start3A_23 = tpu.memref_slice %arg2[%dma_start3A, %multiple_of3A] : memref<16x2048xi32, #tpu.memory_space<hbm>> -> memref<16x128xi32, #tpu.memory_space<hbm>>
    %dma_start3A_24 = arith.constant 0 : i32
    %dma_start3A_25 = tpu.memref_slice %arg2[%dma_start3A_24, %multiple_of3A] : memref<16x2048xi32, #tpu.memory_space<hbm>> -> memref<16x128xi32, #tpu.memory_space<hbm>>
    tpu.enqueue_dma source(%dma_start3A_25 : memref<16x128xi32, #tpu.memory_space<hbm>>) target(%arg6 : memref<16x128xi32, #tpu.memory_space<vmem>>) target_semaphore(%arg9 : memref<!tpu.dma_semaphore, #tpu.memory_space<semaphore_mem>>)
    "tpu.region"() ({
      %run_scoped3A = tpu.sem_alloc : memref<!tpu.dma_semaphore, #tpu.memory_space<semaphore_mem>>
      %dma_start3A_221 = arith.constant 0 : i32
      %dma_start3A_222 = tpu.memref_slice %arg4[%mul3A_2, %dma_start3A_221] : memref<2048x128xf32, #tpu.memory_space<hbm>> -> memref<64x128xf32, #tpu.memory_space<hbm>>
      %dma_start3A_223 = arith.constant 0 : i32
      %dma_start3A_224 = tpu.memref_slice %arg4[%mul3A_2, %dma_start3A_223] : memref<2048x128xf32, #tpu.memory_space<hbm>> -> memref<64x128xf32, #tpu.memory_space<hbm>>
      tpu.enqueue_dma source(%dma_start3A_224 : memref<64x128xf32, #tpu.memory_space<hbm>>) target(%arg7 : memref<64x128xf32, #tpu.memory_space<vmem>>) target_semaphore(%run_scoped3A : memref<!tpu.dma_semaphore, #tpu.memory_space<semaphore_mem>>)
      %dma_wait3A_225 = arith.constant 0 : i32
      %dma_wait3A_226 = tpu.memref_slice %arg4[%mul3A_2, %dma_wait3A_225] : memref<2048x128xf32, #tpu.memory_space<hbm>> -> memref<64x128xf32, #tpu.memory_space<hbm>>
      %dma_wait3A_227 = arith.constant 0 : i32
      %dma_wait3A_228 = tpu.memref_slice %arg4[%mul3A_2, %dma_wait3A_227] : memref<2048x128xf32, #tpu.memory_space<hbm>> -> memref<64x128xf32, #tpu.memory_space<hbm>>
      tpu.wait_dma2 semaphore(%run_scoped3A : memref<!tpu.dma_semaphore, #tpu.memory_space<semaphore_mem>>) src(%dma_wait3A_228 : memref<64x128xf32, #tpu.memory_space<hbm>>) dst(%arg7 : memref<64x128xf32, #tpu.memory_space<vmem>>)
      tpu.yield
    }) : () -> ()
    %dma_wait3A = arith.constant 0 : i32
    %dma_wait3A_26 = tpu.memref_slice %arg2[%dma_wait3A, %multiple_of3A] : memref<16x2048xi32, #tpu.memory_space<hbm>> -> memref<16x128xi32, #tpu.memory_space<hbm>>
    %dma_wait3A_27 = arith.constant 0 : i32
    %dma_wait3A_28 = tpu.memref_slice %arg2[%dma_wait3A_27, %multiple_of3A] : memref<16x2048xi32, #tpu.memory_space<hbm>> -> memref<16x128xi32, #tpu.memory_space<hbm>>
    tpu.wait_dma2 semaphore(%arg9 : memref<!tpu.dma_semaphore, #tpu.memory_space<semaphore_mem>>) src(%dma_wait3A_28 : memref<16x128xi32, #tpu.memory_space<hbm>>) dst(%arg6 : memref<16x128xi32, #tpu.memory_space<vmem>>)
    %dma_start3A_29 = arith.constant 0 : i32
    %dma_start3A_30 = arith.constant 0 : i32
    %dma_start3A_31 = arith.constant 0 : i32
    %dma_start3A_32 = arith.constant 0 : i32
    %dma_start3A_33 = tpu.memref_slice %arg8[%dma_start3A_30, %dma_start3A_31, %dma_start3A_32] : memref<4x128x128xf32, #tpu.memory_space<vmem>> -> memref<1x64x128xf32, #tpu.memory_space<vmem>>
    %dma_start3A_34 = tpu.memref_squeeze %dma_start3A_33 : memref<1x64x128xf32, #tpu.memory_space<vmem>> -> memref<64x128xf32, #tpu.memory_space<vmem>>
    %dma_start3A_35 = tpu.memref_slice %arg6[%dma_start3A_29, %rem3A_22] : memref<16x128xi32, #tpu.memory_space<vmem>> -> memref<1x64xi32, #tpu.memory_space<vmem>>
    %dma_start3A_36 = tpu.memref_squeeze %dma_start3A_35 : memref<1x64xi32, #tpu.memory_space<vmem>> -> memref<64xi32, #tpu.memory_space<vmem>>
    %dma_start3A_37 = arith.constant 0 : i32
    %dma_start3A_38 = arith.constant 0 : i32
    %dma_start3A_39 = tpu.memref_slice %arg3[%dma_start3A_37, %dma_start3A_38] : memref<100000x128xf32, #tpu.memory_space<hbm>> -> memref<100000x128xf32, #tpu.memory_space<hbm>>
    tpu.enqueue_indirect_dma source(%dma_start3A_39 : memref<100000x128xf32, #tpu.memory_space<hbm>>) target(%dma_start3A_34 : memref<64x128xf32, #tpu.memory_space<vmem>>) offsets(%dma_start3A_36 : memref<64xi32, #tpu.memory_space<vmem>>) semaphore(%arg9 : memref<!tpu.dma_semaphore, #tpu.memory_space<semaphore_mem>>)
    %dma_start3A_40 = arith.constant 1 : i32
    %dma_start3A_41 = arith.constant 0 : i32
    %dma_start3A_42 = arith.constant 64 : i32
    %dma_start3A_43 = arith.constant 0 : i32
    %dma_start3A_44 = tpu.memref_slice %arg8[%dma_start3A_41, %dma_start3A_42, %dma_start3A_43] : memref<4x128x128xf32, #tpu.memory_space<vmem>> -> memref<1x64x128xf32, #tpu.memory_space<vmem>>
    %dma_start3A_45 = tpu.memref_squeeze %dma_start3A_44 : memref<1x64x128xf32, #tpu.memory_space<vmem>> -> memref<64x128xf32, #tpu.memory_space<vmem>>
    %dma_start3A_46 = tpu.memref_slice %arg6[%dma_start3A_40, %rem3A_22] : memref<16x128xi32, #tpu.memory_space<vmem>> -> memref<1x64xi32, #tpu.memory_space<vmem>>
    %dma_start3A_47 = tpu.memref_squeeze %dma_start3A_46 : memref<1x64xi32, #tpu.memory_space<vmem>> -> memref<64xi32, #tpu.memory_space<vmem>>
    %dma_start3A_48 = arith.constant 0 : i32
    %dma_start3A_49 = arith.constant 0 : i32
    %dma_start3A_50 = tpu.memref_slice %arg3[%dma_start3A_48, %dma_start3A_49] : memref<100000x128xf32, #tpu.memory_space<hbm>> -> memref<100000x128xf32, #tpu.memory_space<hbm>>
    tpu.enqueue_indirect_dma source(%dma_start3A_50 : memref<100000x128xf32, #tpu.memory_space<hbm>>) target(%dma_start3A_45 : memref<64x128xf32, #tpu.memory_space<vmem>>) offsets(%dma_start3A_47 : memref<64xi32, #tpu.memory_space<vmem>>) semaphore(%arg9 : memref<!tpu.dma_semaphore, #tpu.memory_space<semaphore_mem>>)
    %dma_start3A_51 = arith.constant 2 : i32
    %dma_start3A_52 = arith.constant 1 : i32
    %dma_start3A_53 = arith.constant 0 : i32
    %dma_start3A_54 = arith.constant 0 : i32
    %dma_start3A_55 = tpu.memref_slice %arg8[%dma_start3A_52, %dma_start3A_53, %dma_start3A_54] : memref<4x128x128xf32, #tpu.memory_space<vmem>> -> memref<1x64x128xf32, #tpu.memory_space<vmem>>
    %dma_start3A_56 = tpu.memref_squeeze %dma_start3A_55 : memref<1x64x128xf32, #tpu.memory_space<vmem>> -> memref<64x128xf32, #tpu.memory_space<vmem>>
    %dma_start3A_57 = tpu.memref_slice %arg6[%dma_start3A_51, %rem3A_22] : memref<16x128xi32, #tpu.memory_space<vmem>> -> memref<1x64xi32, #tpu.memory_space<vmem>>
    %dma_start3A_58 = tpu.memref_squeeze %dma_start3A_57 : memref<1x64xi32, #tpu.memory_space<vmem>> -> memref<64xi32, #tpu.memory_space<vmem>>
    %dma_start3A_59 = arith.constant 0 : i32
    %dma_start3A_60 = arith.constant 0 : i32
    %dma_start3A_61 = tpu.memref_slice %arg3[%dma_start3A_59, %dma_start3A_60] : memref<100000x128xf32, #tpu.memory_space<hbm>> -> memref<100000x128xf32, #tpu.memory_space<hbm>>
    tpu.enqueue_indirect_dma source(%dma_start3A_61 : memref<100000x128xf32, #tpu.memory_space<hbm>>) target(%dma_start3A_56 : memref<64x128xf32, #tpu.memory_space<vmem>>) offsets(%dma_start3A_58 : memref<64xi32, #tpu.memory_space<vmem>>) semaphore(%arg9 : memref<!tpu.dma_semaphore, #tpu.memory_space<semaphore_mem>>)
    %dma_start3A_62 = arith.constant 3 : i32
    %dma_start3A_63 = arith.constant 1 : i32
    %dma_start3A_64 = arith.constant 64 : i32
    %dma_start3A_65 = arith.constant 0 : i32
    %dma_start3A_66 = tpu.memref_slice %arg8[%dma_start3A_63, %dma_start3A_64, %dma_start3A_65] : memref<4x128x128xf32, #tpu.memory_space<vmem>> -> memref<1x64x128xf32, #tpu.memory_space<vmem>>
    %dma_start3A_67 = tpu.memref_squeeze %dma_start3A_66 : memref<1x64x128xf32, #tpu.memory_space<vmem>> -> memref<64x128xf32, #tpu.memory_space<vmem>>
    %dma_start3A_68 = tpu.memref_slice %arg6[%dma_start3A_62, %rem3A_22] : memref<16x128xi32, #tpu.memory_space<vmem>> -> memref<1x64xi32, #tpu.memory_space<vmem>>
    %dma_start3A_69 = tpu.memref_squeeze %dma_start3A_68 : memref<1x64xi32, #tpu.memory_space<vmem>> -> memref<64xi32, #tpu.memory_space<vmem>>
    %dma_start3A_70 = arith.constant 0 : i32
    %dma_start3A_71 = arith.constant 0 : i32
    %dma_start3A_72 = tpu.memref_slice %arg3[%dma_start3A_70, %dma_start3A_71] : memref<100000x128xf32, #tpu.memory_space<hbm>> -> memref<100000x128xf32, #tpu.memory_space<hbm>>
    tpu.enqueue_indirect_dma source(%dma_start3A_72 : memref<100000x128xf32, #tpu.memory_space<hbm>>) target(%dma_start3A_67 : memref<64x128xf32, #tpu.memory_space<vmem>>) offsets(%dma_start3A_69 : memref<64xi32, #tpu.memory_space<vmem>>) semaphore(%arg9 : memref<!tpu.dma_semaphore, #tpu.memory_space<semaphore_mem>>)
    %dma_start3A_73 = arith.constant 4 : i32
    %dma_start3A_74 = arith.constant 2 : i32
    %dma_start3A_75 = arith.constant 0 : i32
    %dma_start3A_76 = arith.constant 0 : i32
    %dma_start3A_77 = tpu.memref_slice %arg8[%dma_start3A_74, %dma_start3A_75, %dma_start3A_76] : memref<4x128x128xf32, #tpu.memory_space<vmem>> -> memref<1x64x128xf32, #tpu.memory_space<vmem>>
    %dma_start3A_78 = tpu.memref_squeeze %dma_start3A_77 : memref<1x64x128xf32, #tpu.memory_space<vmem>> -> memref<64x128xf32, #tpu.memory_space<vmem>>
    %dma_start3A_79 = tpu.memref_slice %arg6[%dma_start3A_73, %rem3A_22] : memref<16x128xi32, #tpu.memory_space<vmem>> -> memref<1x64xi32, #tpu.memory_space<vmem>>
    %dma_start3A_80 = tpu.memref_squeeze %dma_start3A_79 : memref<1x64xi32, #tpu.memory_space<vmem>> -> memref<64xi32, #tpu.memory_space<vmem>>
    %dma_start3A_81 = arith.constant 0 : i32
    %dma_start3A_82 = arith.constant 0 : i32
    %dma_start3A_83 = tpu.memref_slice %arg3[%dma_start3A_81, %dma_start3A_82] : memref<100000x128xf32, #tpu.memory_space<hbm>> -> memref<100000x128xf32, #tpu.memory_space<hbm>>
    tpu.enqueue_indirect_dma source(%dma_start3A_83 : memref<100000x128xf32, #tpu.memory_space<hbm>>) target(%dma_start3A_78 : memref<64x128xf32, #tpu.memory_space<vmem>>) offsets(%dma_start3A_80 : memref<64xi32, #tpu.memory_space<vmem>>) semaphore(%arg9 : memref<!tpu.dma_semaphore, #tpu.memory_space<semaphore_mem>>)
    %dma_start3A_84 = arith.constant 5 : i32
    %dma_start3A_85 = arith.constant 2 : i32
    %dma_start3A_86 = arith.constant 64 : i32
    %dma_start3A_87 = arith.constant 0 : i32
    %dma_start3A_88 = tpu.memref_slice %arg8[%dma_start3A_85, %dma_start3A_86, %dma_start3A_87] : memref<4x128x128xf32, #tpu.memory_space<vmem>> -> memref<1x64x128xf32, #tpu.memory_space<vmem>>
    %dma_start3A_89 = tpu.memref_squeeze %dma_start3A_88 : memref<1x64x128xf32, #tpu.memory_space<vmem>> -> memref<64x128xf32, #tpu.memory_space<vmem>>
    %dma_start3A_90 = tpu.memref_slice %arg6[%dma_start3A_84, %rem3A_22] : memref<16x128xi32, #tpu.memory_space<vmem>> -> memref<1x64xi32, #tpu.memory_space<vmem>>
    %dma_start3A_91 = tpu.memref_squeeze %dma_start3A_90 : memref<1x64xi32, #tpu.memory_space<vmem>> -> memref<64xi32, #tpu.memory_space<vmem>>
    %dma_start3A_92 = arith.constant 0 : i32
    %dma_start3A_93 = arith.constant 0 : i32
    %dma_start3A_94 = tpu.memref_slice %arg3[%dma_start3A_92, %dma_start3A_93] : memref<100000x128xf32, #tpu.memory_space<hbm>> -> memref<100000x128xf32, #tpu.memory_space<hbm>>
    tpu.enqueue_indirect_dma source(%dma_start3A_94 : memref<100000x128xf32, #tpu.memory_space<hbm>>) target(%dma_start3A_89 : memref<64x128xf32, #tpu.memory_space<vmem>>) offsets(%dma_start3A_91 : memref<64xi32, #tpu.memory_space<vmem>>) semaphore(%arg9 : memref<!tpu.dma_semaphore, #tpu.memory_space<semaphore_mem>>)
    %scan3A = arith.constant 0 : i32
    %scan3A_95 = arith.constant 0 : i32
    %scan3A_96 = arith.constant 2 : i32
    %scan3A_97 = arith.addi %scan3A_95, %scan3A_96 : i32
    %scan3A_98 = arith.constant 1 : i32
    %scan3A_99 = scf.for %scan3A_221 = %scan3A_95 to %scan3A_97 step %scan3A_98 iter_args(%scan3A_222 = %scan3A) -> (i32)  : i32 {
      %mul3A_223 = arith.constant 4 : i32
      %mul3A_224 = arith.muli %scan3A_221, %mul3A_223 : i32
      %add3A_225 = arith.constant 0 : i32
      %add3A_226 = arith.addi %mul3A_224, %add3A_225 : i32
      %dma_wait3A_227 = arith.constant 0 : i32
      %dma_wait3A_228 = arith.constant 0 : i32
      %dma_wait3A_229 = arith.constant 0 : i32
      %dma_wait3A_230 = tpu.memref_slice %arg8[%dma_wait3A_227, %dma_wait3A_228, %dma_wait3A_229] : memref<4x128x128xf32, #tpu.memory_space<vmem>> -> memref<1x64x128xf32, #tpu.memory_space<vmem>>
      %dma_wait3A_231 = tpu.memref_squeeze %dma_wait3A_230 : memref<1x64x128xf32, #tpu.memory_space<vmem>> -> memref<64x128xf32, #tpu.memory_space<vmem>>
      %dma_wait3A_232 = arith.constant 0 : i32
      %dma_wait3A_233 = arith.constant 0 : i32
      %dma_wait3A_234 = tpu.memref_slice %arg3[%dma_wait3A_232, %dma_wait3A_233] : memref<100000x128xf32, #tpu.memory_space<hbm>> -> memref<64x128xf32, #tpu.memory_space<hbm>>
      %dma_wait3A_235 = arith.constant 0 : i32
      %dma_wait3A_236 = arith.constant 0 : i32
      %dma_wait3A_237 = tpu.memref_slice %arg8[%dma_wait3A_227, %dma_wait3A_235, %dma_wait3A_236] : memref<4x128x128xf32, #tpu.memory_space<vmem>> -> memref<1x64x128xf32, #tpu.memory_space<vmem>>
      %dma_wait3A_238 = tpu.memref_squeeze %dma_wait3A_237 : memref<1x64x128xf32, #tpu.memory_space<vmem>> -> memref<64x128xf32, #tpu.memory_space<vmem>>
      %dma_wait3A_239 = arith.constant 0 : i32
      %dma_wait3A_240 = arith.constant 0 : i32
      %dma_wait3A_241 = tpu.memref_slice %arg3[%dma_wait3A_239, %dma_wait3A_240] : memref<100000x128xf32, #tpu.memory_space<hbm>> -> memref<64x128xf32, #tpu.memory_space<hbm>>
      tpu.wait_dma2 semaphore(%arg9 : memref<!tpu.dma_semaphore, #tpu.memory_space<semaphore_mem>>) src(%dma_wait3A_241 : memref<64x128xf32, #tpu.memory_space<hbm>>) dst(%dma_wait3A_238 : memref<64x128xf32, #tpu.memory_space<vmem>>)
      %dma_wait3A_242 = arith.constant 0 : i32
      %dma_wait3A_243 = arith.constant 64 : i32
      %dma_wait3A_244 = arith.constant 0 : i32
      %dma_wait3A_245 = tpu.memref_slice %arg8[%dma_wait3A_242, %dma_wait3A_243, %dma_wait3A_244] : memref<4x128x128xf32, #tpu.memory_space<vmem>> -> memref<1x64x128xf32, #tpu.memory_space<vmem>>
      %dma_wait3A_246 = tpu.memref_squeeze %dma_wait3A_245 : memref<1x64x128xf32, #tpu.memory_space<vmem>> -> memref<64x128xf32, #tpu.memory_space<vmem>>
      %dma_wait3A_247 = arith.constant 0 : i32
      %dma_wait3A_248 = arith.constant 0 : i32
      %dma_wait3A_249 = tpu.memref_slice %arg3[%dma_wait3A_247, %dma_wait3A_248] : memref<100000x128xf32, #tpu.memory_space<hbm>> -> memref<64x128xf32, #tpu.memory_space<hbm>>
      %dma_wait3A_250 = arith.constant 64 : i32
      %dma_wait3A_251 = arith.constant 0 : i32
      %dma_wait3A_252 = tpu.memref_slice %arg8[%dma_wait3A_242, %dma_wait3A_250, %dma_wait3A_251] : memref<4x128x128xf32, #tpu.memory_space<vmem>> -> memref<1x64x128xf32, #tpu.memory_space<vmem>>
      %dma_wait3A_253 = tpu.memref_squeeze %dma_wait3A_252 : memref<1x64x128xf32, #tpu.memory_space<vmem>> -> memref<64x128xf32, #tpu.memory_space<vmem>>
      %dma_wait3A_254 = arith.constant 0 : i32
      %dma_wait3A_255 = arith.constant 0 : i32
      %dma_wait3A_256 = tpu.memref_slice %arg3[%dma_wait3A_254, %dma_wait3A_255] : memref<100000x128xf32, #tpu.memory_space<hbm>> -> memref<64x128xf32, #tpu.memory_space<hbm>>
      tpu.wait_dma2 semaphore(%arg9 : memref<!tpu.dma_semaphore, #tpu.memory_space<semaphore_mem>>) src(%dma_wait3A_256 : memref<64x128xf32, #tpu.memory_space<hbm>>) dst(%dma_wait3A_253 : memref<64x128xf32, #tpu.memory_space<vmem>>)
      %parallel_loop3A = arith.constant 0 : i32
      %parallel_loop3A_257 = arith.constant 128 : i32
      %parallel_loop3A_258 = arith.constant 1 : i32
      scf.for %parallel_loop3A_550 = %parallel_loop3A to %parallel_loop3A_257 step %parallel_loop3A_258  : i32 {
        %parallel_loop3A_551 = arith.constant 64 : i32
        %parallel_loop3A_552 = arith.remsi %parallel_loop3A_550, %parallel_loop3A_551 : i32
        %parallel_loop3A_553 = arith.index_cast %parallel_loop3A_552 : i32 to index
        %parallel_loop3A_554 = arith.constant 0 : index
        %parallel_loop3A_555 = tpu.vector_load %arg7[%parallel_loop3A_553, %parallel_loop3A_554] {strides = array<i32>} : memref<64x128xf32, #tpu.memory_space<vmem>>, vector<1x16xf32>,
        %parallel_loop3A_556 = vector.shape_cast %parallel_loop3A_555 : vector<1x16xf32> to vector<16xf32>
        %parallel_loop3A_557 = arith.constant 0 : i32
        %parallel_loop3A_558 = arith.index_cast %parallel_loop3A_557 : i32 to index
        %parallel_loop3A_559 = arith.index_cast %parallel_loop3A_550 : i32 to index
        %parallel_loop3A_560 = arith.constant 0 : index
        %parallel_loop3A_561 = tpu.vector_load %arg8[%parallel_loop3A_558, %parallel_loop3A_559, %parallel_loop3A_560] {strides = array<i32>} : memref<4x128x128xf32, #tpu.memory_space<vmem>>, vector<1x1x16xf32>,
        %parallel_loop3A_562 = vector.shape_cast %parallel_loop3A_561 : vector<1x1x16xf32> to vector<16xf32>
        %parallel_loop3A_563 = vector.shape_cast %parallel_loop3A_556 : vector<16xf32> to vector<1x1x16xf32>
        tpu.vector_store %arg8[%parallel_loop3A_558, %parallel_loop3A_559, %parallel_loop3A_560], %parallel_loop3A_563 {add = true, strides = array<i32>} : memref<4x128x128xf32, #tpu.memory_space<vmem>>, vector<1x1x16xf32>,
        %parallel_loop3A_564 = arith.index_cast %parallel_loop3A_552 : i32 to index
        %parallel_loop3A_565 = arith.constant 16 : index
        %parallel_loop3A_566 = tpu.vector_load %arg7[%parallel_loop3A_564, %parallel_loop3A_565] {strides = array<i32>} : memref<64x128xf32, #tpu.memory_space<vmem>>, vector<1x16xf32>,
        %parallel_loop3A_567 = vector.shape_cast %parallel_loop3A_566 : vector<1x16xf32> to vector<16xf32>
        %parallel_loop3A_568 = arith.constant 0 : i32
        %parallel_loop3A_569 = arith.index_cast %parallel_loop3A_568 : i32 to index
        %parallel_loop3A_570 = arith.index_cast %parallel_loop3A_550 : i32 to index
        %parallel_loop3A_571 = arith.constant 16 : index
        %parallel_loop3A_572 = tpu.vector_load %arg8[%parallel_loop3A_569, %parallel_loop3A_570, %parallel_loop3A_571] {strides = array<i32>} : memref<4x128x128xf32, #tpu.memory_space<vmem>>, vector<1x1x16xf32>,
        %parallel_loop3A_573 = vector.shape_cast %parallel_loop3A_572 : vector<1x1x16xf32> to vector<16xf32>
        %parallel_loop3A_574 = vector.shape_cast %parallel_loop3A_567 : vector<16xf32> to vector<1x1x16xf32>
        tpu.vector_store %arg8[%parallel_loop3A_569, %parallel_loop3A_570, %parallel_loop3A_571], %parallel_loop3A_574 {add = true, strides = array<i32>} : memref<4x128x128xf32, #tpu.memory_space<vmem>>, vector<1x1x16xf32>,
        %parallel_loop3A_575 = arith.index_cast %parallel_loop3A_552 : i32 to index
        %parallel_loop3A_576 = arith.constant 32 : index
        %parallel_loop3A_577 = tpu.vector_load %arg7[%parallel_loop3A_575, %parallel_loop3A_576] {strides = array<i32>} : memref<64x128xf32, #tpu.memory_space<vmem>>, vector<1x16xf32>,
        %parallel_loop3A_578 = vector.shape_cast %parallel_loop3A_577 : vector<1x16xf32> to vector<16xf32>
        %parallel_loop3A_579 = arith.constant 0 : i32
        %parallel_loop3A_580 = arith.index_cast %parallel_loop3A_579 : i32 to index
        %parallel_loop3A_581 = arith.index_cast %parallel_loop3A_550 : i32 to index
        %parallel_loop3A_582 = arith.constant 32 : index
        %parallel_loop3A_583 = tpu.vector_load %arg8[%parallel_loop3A_580, %parallel_loop3A_581, %parallel_loop3A_582] {strides = array<i32>} : memref<4x128x128xf32, #tpu.memory_space<vmem>>, vector<1x1x16xf32>,
        %parallel_loop3A_584 = vector.shape_cast %parallel_loop3A_583 : vector<1x1x16xf32> to vector<16xf32>
        %parallel_loop3A_585 = vector.shape_cast %parallel_loop3A_578 : vector<16xf32> to vector<1x1x16xf32>
        tpu.vector_store %arg8[%parallel_loop3A_580, %parallel_loop3A_581, %parallel_loop3A_582], %parallel_loop3A_585 {add = true, strides = array<i32>} : memref<4x128x128xf32, #tpu.memory_space<vmem>>, vector<1x1x16xf32>,
        %parallel_loop3A_586 = arith.index_cast %parallel_loop3A_552 : i32 to index
        %parallel_loop3A_587 = arith.constant 48 : index
        %parallel_loop3A_588 = tpu.vector_load %arg7[%parallel_loop3A_586, %parallel_loop3A_587] {strides = array<i32>} : memref<64x128xf32, #tpu.memory_space<vmem>>, vector<1x16xf32>,
        %parallel_loop3A_589 = vector.shape_cast %parallel_loop3A_588 : vector<1x16xf32> to vector<16xf32>
        %parallel_loop3A_590 = arith.constant 0 : i32
        %parallel_loop3A_591 = arith.index_cast %parallel_loop3A_590 : i32 to index
        %parallel_loop3A_592 = arith.index_cast %parallel_loop3A_550 : i32 to index
        %parallel_loop3A_593 = arith.constant 48 : index
        %parallel_loop3A_594 = tpu.vector_load %arg8[%parallel_loop3A_591, %parallel_loop3A_592, %parallel_loop3A_593] {strides = array<i32>} : memref<4x128x128xf32, #tpu.memory_space<vmem>>, vector<1x1x16xf32>,
        %parallel_loop3A_595 = vector.shape_cast %parallel_loop3A_594 : vector<1x1x16xf32> to vector<16xf32>
        %parallel_loop3A_596 = vector.shape_cast %parallel_loop3A_589 : vector<16xf32> to vector<1x1x16xf32>
        tpu.vector_store %arg8[%parallel_loop3A_591, %parallel_loop3A_592, %parallel_loop3A_593], %parallel_loop3A_596 {add = true, strides = array<i32>} : memref<4x128x128xf32, #tpu.memory_space<vmem>>, vector<1x1x16xf32>,
        %parallel_loop3A_597 = arith.index_cast %parallel_loop3A_552 : i32 to index
        %parallel_loop3A_598 = arith.constant 64 : index
        %parallel_loop3A_599 = tpu.vector_load %arg7[%parallel_loop3A_597, %parallel_loop3A_598] {strides = array<i32>} : memref<64x128xf32, #tpu.memory_space<vmem>>, vector<1x16xf32>,
        %parallel_loop3A_600 = vector.shape_cast %parallel_loop3A_599 : vector<1x16xf32> to vector<16xf32>
        %parallel_loop3A_601 = arith.constant 0 : i32
        %parallel_loop3A_602 = arith.index_cast %parallel_loop3A_601 : i32 to index
        %parallel_loop3A_603 = arith.index_cast %parallel_loop3A_550 : i32 to index
        %parallel_loop3A_604 = arith.constant 64 : index
        %parallel_loop3A_605 = tpu.vector_load %arg8[%parallel_loop3A_602, %parallel_loop3A_603, %parallel_loop3A_604] {strides = array<i32>} : memref<4x128x128xf32, #tpu.memory_space<vmem>>, vector<1x1x16xf32>,
        %parallel_loop3A_606 = vector.shape_cast %parallel_loop3A_605 : vector<1x1x16xf32> to vector<16xf32>
        %parallel_loop3A_607 = vector.shape_cast %parallel_loop3A_600 : vector<16xf32> to vector<1x1x16xf32>
        tpu.vector_store %arg8[%parallel_loop3A_602, %parallel_loop3A_603, %parallel_loop3A_604], %parallel_loop3A_607 {add = true, strides = array<i32>} : memref<4x128x128xf32, #tpu.memory_space<vmem>>, vector<1x1x16xf32>,
        %parallel_loop3A_608 = arith.index_cast %parallel_loop3A_552 : i32 to index
        %parallel_loop3A_609 = arith.constant 80 : index
        %parallel_loop3A_610 = tpu.vector_load %arg7[%parallel_loop3A_608, %parallel_loop3A_609] {strides = array<i32>} : memref<64x128xf32, #tpu.memory_space<vmem>>, vector<1x16xf32>,
        %parallel_loop3A_611 = vector.shape_cast %parallel_loop3A_610 : vector<1x16xf32> to vector<16xf32>
        %parallel_loop3A_612 = arith.constant 0 : i32
        %parallel_loop3A_613 = arith.index_cast %parallel_loop3A_612 : i32 to index
        %parallel_loop3A_614 = arith.index_cast %parallel_loop3A_550 : i32 to index
        %parallel_loop3A_615 = arith.constant 80 : index
        %parallel_loop3A_616 = tpu.vector_load %arg8[%parallel_loop3A_613, %parallel_loop3A_614, %parallel_loop3A_615] {strides = array<i32>} : memref<4x128x128xf32, #tpu.memory_space<vmem>>, vector<1x1x16xf32>,
        %parallel_loop3A_617 = vector.shape_cast %parallel_loop3A_616 : vector<1x1x16xf32> to vector<16xf32>
        %parallel_loop3A_618 = vector.shape_cast %parallel_loop3A_611 : vector<16xf32> to vector<1x1x16xf32>
        tpu.vector_store %arg8[%parallel_loop3A_613, %parallel_loop3A_614, %parallel_loop3A_615], %parallel_loop3A_618 {add = true, strides = array<i32>} : memref<4x128x128xf32, #tpu.memory_space<vmem>>, vector<1x1x16xf32>,
        %parallel_loop3A_619 = arith.index_cast %parallel_loop3A_552 : i32 to index
        %parallel_loop3A_620 = arith.constant 96 : index
        %parallel_loop3A_621 = tpu.vector_load %arg7[%parallel_loop3A_619, %parallel_loop3A_620] {strides = array<i32>} : memref<64x128xf32, #tpu.memory_space<vmem>>, vector<1x16xf32>,
        %parallel_loop3A_622 = vector.shape_cast %parallel_loop3A_621 : vector<1x16xf32> to vector<16xf32>
        %parallel_loop3A_623 = arith.constant 0 : i32
        %parallel_loop3A_624 = arith.index_cast %parallel_loop3A_623 : i32 to index
        %parallel_loop3A_625 = arith.index_cast %parallel_loop3A_550 : i32 to index
        %parallel_loop3A_626 = arith.constant 96 : index
        %parallel_loop3A_627 = tpu.vector_load %arg8[%parallel_loop3A_624, %parallel_loop3A_625, %parallel_loop3A_626] {strides = array<i32>} : memref<4x128x128xf32, #tpu.memory_space<vmem>>, vector<1x1x16xf32>,
        %parallel_loop3A_628 = vector.shape_cast %parallel_loop3A_627 : vector<1x1x16xf32> to vector<16xf32>
        %parallel_loop3A_629 = vector.shape_cast %parallel_loop3A_622 : vector<16xf32> to vector<1x1x16xf32>
        tpu.vector_store %arg8[%parallel_loop3A_624, %parallel_loop3A_625, %parallel_loop3A_626], %parallel_loop3A_629 {add = true, strides = array<i32>} : memref<4x128x128xf32, #tpu.memory_space<vmem>>, vector<1x1x16xf32>,
        %parallel_loop3A_630 = arith.index_cast %parallel_loop3A_552 : i32 to index
        %parallel_loop3A_631 = arith.constant 112 : index
        %parallel_loop3A_632 = tpu.vector_load %arg7[%parallel_loop3A_630, %parallel_loop3A_631] {strides = array<i32>} : memref<64x128xf32, #tpu.memory_space<vmem>>, vector<1x16xf32>,
        %parallel_loop3A_633 = vector.shape_cast %parallel_loop3A_632 : vector<1x16xf32> to vector<16xf32>
        %parallel_loop3A_634 = arith.constant 0 : i32
        %parallel_loop3A_635 = arith.index_cast %parallel_loop3A_634 : i32 to index
        %parallel_loop3A_636 = arith.index_cast %parallel_loop3A_550 : i32 to index
        %parallel_loop3A_637 = arith.constant 112 : index
        %parallel_loop3A_638 = tpu.vector_load %arg8[%parallel_loop3A_635, %parallel_loop3A_636, %parallel_loop3A_637] {strides = array<i32>} : memref<4x128x128xf32, #tpu.memory_space<vmem>>, vector<1x1x16xf32>,
        %parallel_loop3A_639 = vector.shape_cast %parallel_loop3A_638 : vector<1x1x16xf32> to vector<16xf32>
        %parallel_loop3A_640 = vector.shape_cast %parallel_loop3A_633 : vector<16xf32> to vector<1x1x16xf32>
        tpu.vector_store %arg8[%parallel_loop3A_635, %parallel_loop3A_636, %parallel_loop3A_637], %parallel_loop3A_640 {add = true, strides = array<i32>} : memref<4x128x128xf32, #tpu.memory_space<vmem>>, vector<1x1x16xf32>,
      } {sc.loop_unroll_factor = 4 : i64, sc.parallel_access}
      %mul3A_259 = arith.constant 2 : i32
      %mul3A_260 = arith.muli %add3A_226, %mul3A_259 : i32
      %add3A_261 = arith.constant 0 : i32
      %add3A_262 = arith.addi %mul3A_260, %add3A_261 : i32
      %mul3A_263 = arith.constant 2048 : i32
      %mul3A_264 = arith.muli %add3A_262, %mul3A_263 : i32
      %add3A_265 = arith.addi %mul3A_264, %mul3A_2 : i32
      %dma_start3A_266 = arith.constant 0 : i32
      %dma_start3A_267 = arith.constant 0 : i32
      %dma_start3A_268 = arith.constant 0 : i32
      %dma_start3A_269 = tpu.memref_slice %arg8[%dma_start3A_266, %dma_start3A_267, %dma_start3A_268] : memref<4x128x128xf32, #tpu.memory_space<vmem>> -> memref<1x64x128xf32, #tpu.memory_space<vmem>>
      %dma_start3A_270 = tpu.memref_squeeze %dma_start3A_269 : memref<1x64x128xf32, #tpu.memory_space<vmem>> -> memref<64x128xf32, #tpu.memory_space<vmem>>
      %dma_start3A_271 = arith.constant 0 : i32
      %dma_start3A_272 = tpu.memref_slice %arg5[%add3A_265, %dma_start3A_271] : memref<32768x128xf32, #tpu.memory_space<hbm>> -> memref<64x128xf32, #tpu.memory_space<hbm>>
      %dma_start3A_273 = arith.constant 0 : i32
      %dma_start3A_274 = tpu.memref_slice %arg5[%add3A_265, %dma_start3A_273] : memref<32768x128xf32, #tpu.memory_space<hbm>> -> memref<64x128xf32, #tpu.memory_space<hbm>>
      %dma_start3A_275 = arith.constant 0 : i32
      %dma_start3A_276 = arith.constant 0 : i32
      %dma_start3A_277 = tpu.memref_slice %arg8[%dma_start3A_266, %dma_start3A_275, %dma_start3A_276] : memref<4x128x128xf32, #tpu.memory_space<vmem>> -> memref<1x64x128xf32, #tpu.memory_space<vmem>>
      %dma_start3A_278 = tpu.memref_squeeze %dma_start3A_277 : memref<1x64x128xf32, #tpu.memory_space<vmem>> -> memref<64x128xf32, #tpu.memory_space<vmem>>
      tpu.enqueue_dma source(%dma_start3A_278 : memref<64x128xf32, #tpu.memory_space<vmem>>) target(%dma_start3A_274 : memref<64x128xf32, #tpu.memory_space<hbm>>) target_semaphore(%arg10 : memref<!tpu.dma_semaphore, #tpu.memory_space<semaphore_mem>>)
      %mul3A_279 = arith.constant 2 : i32
      %mul3A_280 = arith.muli %add3A_226, %mul3A_279 : i32
      %add3A_281 = arith.constant 1 : i32
      %add3A_282 = arith.addi %mul3A_280, %add3A_281 : i32
      %mul3A_283 = arith.constant 2048 : i32
      %mul3A_284 = arith.muli %add3A_282, %mul3A_283 : i32
      %add3A_285 = arith.addi %mul3A_284, %mul3A_2 : i32
      %dma_start3A_286 = arith.constant 0 : i32
      %dma_start3A_287 = arith.constant 64 : i32
      %dma_start3A_288 = arith.constant 0 : i32
      %dma_start3A_289 = tpu.memref_slice %arg8[%dma_start3A_286, %dma_start3A_287, %dma_start3A_288] : memref<4x128x128xf32, #tpu.memory_space<vmem>> -> memref<1x64x128xf32, #tpu.memory_space<vmem>>
      %dma_start3A_290 = tpu.memref_squeeze %dma_start3A_289 : memref<1x64x128xf32, #tpu.memory_space<vmem>> -> memref<64x128xf32, #tpu.memory_space<vmem>>
      %dma_start3A_291 = arith.constant 0 : i32
      %dma_start3A_292 = tpu.memref_slice %arg5[%add3A_285, %dma_start3A_291] : memref<32768x128xf32, #tpu.memory_space<hbm>> -> memref<64x128xf32, #tpu.memory_space<hbm>>
      %dma_start3A_293 = arith.constant 0 : i32
      %dma_start3A_294 = tpu.memref_slice %arg5[%add3A_285, %dma_start3A_293] : memref<32768x128xf32, #tpu.memory_space<hbm>> -> memref<64x128xf32, #tpu.memory_space<hbm>>
      %dma_start3A_295 = arith.constant 64 : i32
      %dma_start3A_296 = arith.constant 0 : i32
      %dma_start3A_297 = tpu.memref_slice %arg8[%dma_start3A_286, %dma_start3A_295, %dma_start3A_296] : memref<4x128x128xf32, #tpu.memory_space<vmem>> -> memref<1x64x128xf32, #tpu.memory_space<vmem>>
      %dma_start3A_298 = tpu.memref_squeeze %dma_start3A_297 : memref<1x64x128xf32, #tpu.memory_space<vmem>> -> memref<64x128xf32, #tpu.memory_space<vmem>>
      tpu.enqueue_dma source(%dma_start3A_298 : memref<64x128xf32, #tpu.memory_space<vmem>>) target(%dma_start3A_294 : memref<64x128xf32, #tpu.memory_space<hbm>>) target_semaphore(%arg10 : memref<!tpu.dma_semaphore, #tpu.memory_space<semaphore_mem>>)
      %add3A_299 = arith.constant 3 : i32
      %add3A_300 = arith.addi %add3A_226, %add3A_299 : i32
      %lt3A = arith.constant 8 : i32
      %lt3A_301 = arith.cmpi slt, %add3A_300, %lt3A : i32
      %convert_element_type3A = arith.extui %lt3A_301 : i1 to i32
      %cond3A = arith.constant 0 : i32
      %cond3A_302 = arith.cmpi ne, %convert_element_type3A, %cond3A : i32
      scf.if %cond3A_302 {
        %ge3A = arith.constant 1 : i32
        %ge3A_550 = arith.cmpi sge, %add3A_226, %ge3A : i32
        %convert_element_type3A_551 = arith.extui %ge3A_550 : i1 to i32
        %cond3A_552 = arith.constant 0 : i32
        %cond3A_553 = arith.cmpi ne, %convert_element_type3A_551, %cond3A_552 : i32
        scf.if %cond3A_553 {
          %dma_wait3A_582 = arith.constant 3 : i32
          %dma_wait3A_583 = arith.constant 0 : i32
          %dma_wait3A_584 = arith.constant 0 : i32
          %dma_wait3A_585 = tpu.memref_slice %arg8[%dma_wait3A_582, %dma_wait3A_583, %dma_wait3A_584] : memref<4x128x128xf32, #tpu.memory_space<vmem>> -> memref<1x64x128xf32, #tpu.memory_space<vmem>>
          %dma_wait3A_586 = tpu.memref_squeeze %dma_wait3A_585 : memref<1x64x128xf32, #tpu.memory_space<vmem>> -> memref<64x128xf32, #tpu.memory_space<vmem>>
          %dma_wait3A_587 = arith.constant 0 : i32
          %dma_wait3A_588 = arith.constant 0 : i32
          %dma_wait3A_589 = tpu.memref_slice %arg5[%dma_wait3A_587, %dma_wait3A_588] : memref<32768x128xf32, #tpu.memory_space<hbm>> -> memref<64x128xf32, #tpu.memory_space<hbm>>
          %dma_wait3A_590 = arith.constant 0 : i32
          %dma_wait3A_591 = arith.constant 0 : i32
          %dma_wait3A_592 = tpu.memref_slice %arg5[%dma_wait3A_590, %dma_wait3A_591] : memref<32768x128xf32, #tpu.memory_space<hbm>> -> memref<64x128xf32, #tpu.memory_space<hbm>>
          %dma_wait3A_593 = arith.constant 0 : i32
          %dma_wait3A_594 = arith.constant 0 : i32
          %dma_wait3A_595 = tpu.memref_slice %arg8[%dma_wait3A_582, %dma_wait3A_593, %dma_wait3A_594] : memref<4x128x128xf32, #tpu.memory_space<vmem>> -> memref<1x64x128xf32, #tpu.memory_space<vmem>>
          %dma_wait3A_596 = tpu.memref_squeeze %dma_wait3A_595 : memref<1x64x128xf32, #tpu.memory_space<vmem>> -> memref<64x128xf32, #tpu.memory_space<vmem>>
          tpu.wait_dma2 semaphore(%arg10 : memref<!tpu.dma_semaphore, #tpu.memory_space<semaphore_mem>>) src(%dma_wait3A_596 : memref<64x128xf32, #tpu.memory_space<vmem>>) dst(%dma_wait3A_592 : memref<64x128xf32, #tpu.memory_space<hbm>>)
          %dma_wait3A_597 = arith.constant 3 : i32
          %dma_wait3A_598 = arith.constant 64 : i32
          %dma_wait3A_599 = arith.constant 0 : i32
          %dma_wait3A_600 = tpu.memref_slice %arg8[%dma_wait3A_597, %dma_wait3A_598, %dma_wait3A_599] : memref<4x128x128xf32, #tpu.memory_space<vmem>> -> memref<1x64x128xf32, #tpu.memory_space<vmem>>
          %dma_wait3A_601 = tpu.memref_squeeze %dma_wait3A_600 : memref<1x64x128xf32, #tpu.memory_space<vmem>> -> memref<64x128xf32, #tpu.memory_space<vmem>>
          %dma_wait3A_602 = arith.constant 0 : i32
          %dma_wait3A_603 = arith.constant 0 : i32
          %dma_wait3A_604 = tpu.memref_slice %arg5[%dma_wait3A_602, %dma_wait3A_603] : memref<32768x128xf32, #tpu.memory_space<hbm>> -> memref<64x128xf32, #tpu.memory_space<hbm>>
          %dma_wait3A_605 = arith.constant 0 : i32
          %dma_wait3A_606 = arith.constant 0 : i32
          %dma_wait3A_607 = tpu.memref_slice %arg5[%dma_wait3A_605, %dma_wait3A_606] : memref<32768x128xf32, #tpu.memory_space<hbm>> -> memref<64x128xf32, #tpu.memory_space<hbm>>
          %dma_wait3A_608 = arith.constant 64 : i32
          %dma_wait3A_609 = arith.constant 0 : i32
          %dma_wait3A_610 = tpu.memref_slice %arg8[%dma_wait3A_597, %dma_wait3A_608, %dma_wait3A_609] : memref<4x128x128xf32, #tpu.memory_space<vmem>> -> memref<1x64x128xf32, #tpu.memory_space<vmem>>
          %dma_wait3A_611 = tpu.memref_squeeze %dma_wait3A_610 : memref<1x64x128xf32, #tpu.memory_space<vmem>> -> memref<64x128xf32, #tpu.memory_space<vmem>>
          tpu.wait_dma2 semaphore(%arg10 : memref<!tpu.dma_semaphore, #tpu.memory_space<semaphore_mem>>) src(%dma_wait3A_611 : memref<64x128xf32, #tpu.memory_space<vmem>>) dst(%dma_wait3A_607 : memref<64x128xf32, #tpu.memory_space<hbm>>)
        } else {
        }
        %mul3A_554 = arith.constant 2 : i32
        %mul3A_555 = arith.muli %add3A_300, %mul3A_554 : i32
        %add3A_556 = arith.constant 0 : i32
        %add3A_557 = arith.addi %mul3A_555, %add3A_556 : i32
        %dma_start3A_558 = arith.constant 3 : i32
        %dma_start3A_559 = arith.constant 0 : i32
        %dma_start3A_560 = arith.constant 0 : i32
        %dma_start3A_561 = tpu.memref_slice %arg8[%dma_start3A_558, %dma_start3A_559, %dma_start3A_560] : memref<4x128x128xf32, #tpu.memory_space<vmem>> -> memref<1x64x128xf32, #tpu.memory_space<vmem>>
        %dma_start3A_562 = tpu.memref_squeeze %dma_start3A_561 : memref<1x64x128xf32, #tpu.memory_space<vmem>> -> memref<64x128xf32, #tpu.memory_space<vmem>>
        %dma_start3A_563 = tpu.memref_slice %arg6[%add3A_557, %rem3A_22] : memref<16x128xi32, #tpu.memory_space<vmem>> -> memref<1x64xi32, #tpu.memory_space<vmem>>
        %dma_start3A_564 = tpu.memref_squeeze %dma_start3A_563 : memref<1x64xi32, #tpu.memory_space<vmem>> -> memref<64xi32, #tpu.memory_space<vmem>>
        %dma_start3A_565 = arith.constant 0 : i32
        %dma_start3A_566 = arith.constant 0 : i32
        %dma_start3A_567 = tpu.memref_slice %arg3[%dma_start3A_565, %dma_start3A_566] : memref<100000x128xf32, #tpu.memory_space<hbm>> -> memref<100000x128xf32, #tpu.memory_space<hbm>>
        tpu.enqueue_indirect_dma source(%dma_start3A_567 : memref<100000x128xf32, #tpu.memory_space<hbm>>) target(%dma_start3A_562 : memref<64x128xf32, #tpu.memory_space<vmem>>) offsets(%dma_start3A_564 : memref<64xi32, #tpu.memory_space<vmem>>) semaphore(%arg9 : memref<!tpu.dma_semaphore, #tpu.memory_space<semaphore_mem>>)
        %mul3A_568 = arith.constant 2 : i32
        %mul3A_569 = arith.muli %add3A_300, %mul3A_568 : i32
        %add3A_570 = arith.constant 1 : i32
        %add3A_571 = arith.addi %mul3A_569, %add3A_570 : i32
        %dma_start3A_572 = arith.constant 3 : i32
        %dma_start3A_573 = arith.constant 64 : i32
        %dma_start3A_574 = arith.constant 0 : i32
        %dma_start3A_575 = tpu.memref_slice %arg8[%dma_start3A_572, %dma_start3A_573, %dma_start3A_574] : memref<4x128x128xf32, #tpu.memory_space<vmem>> -> memref<1x64x128xf32, #tpu.memory_space<vmem>>
        %dma_start3A_576 = tpu.memref_squeeze %dma_start3A_575 : memref<1x64x128xf32, #tpu.memory_space<vmem>> -> memref<64x128xf32, #tpu.memory_space<vmem>>
        %dma_start3A_577 = tpu.memref_slice %arg6[%add3A_571, %rem3A_22] : memref<16x128xi32, #tpu.memory_space<vmem>> -> memref<1x64xi32, #tpu.memory_space<vmem>>
        %dma_start3A_578 = tpu.memref_squeeze %dma_start3A_577 : memref<1x64xi32, #tpu.memory_space<vmem>> -> memref<64xi32, #tpu.memory_space<vmem>>
        %dma_start3A_579 = arith.constant 0 : i32
        %dma_start3A_580 = arith.constant 0 : i32
        %dma_start3A_581 = tpu.memref_slice %arg3[%dma_start3A_579, %dma_start3A_580] : memref<100000x128xf32, #tpu.memory_space<hbm>> -> memref<100000x128xf32, #tpu.memory_space<hbm>>
        tpu.enqueue_indirect_dma source(%dma_start3A_581 : memref<100000x128xf32, #tpu.memory_space<hbm>>) target(%dma_start3A_576 : memref<64x128xf32, #tpu.memory_space<vmem>>) offsets(%dma_start3A_578 : memref<64xi32, #tpu.memory_space<vmem>>) semaphore(%arg9 : memref<!tpu.dma_semaphore, #tpu.memory_space<semaphore_mem>>)
      } else {
      }
      %add3A_303 = arith.constant 1 : i32
      %add3A_304 = arith.addi %mul3A_224, %add3A_303 : i32
      %dma_wait3A_305 = arith.constant 1 : i32
      %dma_wait3A_306 = arith.constant 0 : i32
      %dma_wait3A_307 = arith.constant 0 : i32
      %dma_wait3A_308 = tpu.memref_slice %arg8[%dma_wait3A_305, %dma_wait3A_306, %dma_wait3A_307] : memref<4x128x128xf32, #tpu.memory_space<vmem>> -> memref<1x64x128xf32, #tpu.memory_space<vmem>>
      %dma_wait3A_309 = tpu.memref_squeeze %dma_wait3A_308 : memref<1x64x128xf32, #tpu.memory_space<vmem>> -> memref<64x128xf32, #tpu.memory_space<vmem>>
      %dma_wait3A_310 = arith.constant 0 : i32
      %dma_wait3A_311 = arith.constant 0 : i32
      %dma_wait3A_312 = tpu.memref_slice %arg3[%dma_wait3A_310, %dma_wait3A_311] : memref<100000x128xf32, #tpu.memory_space<hbm>> -> memref<64x128xf32, #tpu.memory_space<hbm>>
      %dma_wait3A_313 = arith.constant 0 : i32
      %dma_wait3A_314 = arith.constant 0 : i32
      %dma_wait3A_315 = tpu.memref_slice %arg8[%dma_wait3A_305, %dma_wait3A_313, %dma_wait3A_314] : memref<4x128x128xf32, #tpu.memory_space<vmem>> -> memref<1x64x128xf32, #tpu.memory_space<vmem>>
      %dma_wait3A_316 = tpu.memref_squeeze %dma_wait3A_315 : memref<1x64x128xf32, #tpu.memory_space<vmem>> -> memref<64x128xf32, #tpu.memory_space<vmem>>
      %dma_wait3A_317 = arith.constant 0 : i32
      %dma_wait3A_318 = arith.constant 0 : i32
      %dma_wait3A_319 = tpu.memref_slice %arg3[%dma_wait3A_317, %dma_wait3A_318] : memref<100000x128xf32, #tpu.memory_space<hbm>> -> memref<64x128xf32, #tpu.memory_space<hbm>>
      tpu.wait_dma2 semaphore(%arg9 : memref<!tpu.dma_semaphore, #tpu.memory_space<semaphore_mem>>) src(%dma_wait3A_319 : memref<64x128xf32, #tpu.memory_space<hbm>>) dst(%dma_wait3A_316 : memref<64x128xf32, #tpu.memory_space<vmem>>)
      %dma_wait3A_320 = arith.constant 1 : i32
      %dma_wait3A_321 = arith.constant 64 : i32
      %dma_wait3A_322 = arith.constant 0 : i32
      %dma_wait3A_323 = tpu.memref_slice %arg8[%dma_wait3A_320, %dma_wait3A_321, %dma_wait3A_322] : memref<4x128x128xf32, #tpu.memory_space<vmem>> -> memref<1x64x128xf32, #tpu.memory_space<vmem>>
      %dma_wait3A_324 = tpu.memref_squeeze %dma_wait3A_323 : memref<1x64x128xf32, #tpu.memory_space<vmem>> -> memref<64x128xf32, #tpu.memory_space<vmem>>
      %dma_wait3A_325 = arith.constant 0 : i32
      %dma_wait3A_326 = arith.constant 0 : i32
      %dma_wait3A_327 = tpu.memref_slice %arg3[%dma_wait3A_325, %dma_wait3A_326] : memref<100000x128xf32, #tpu.memory_space<hbm>> -> memref<64x128xf32, #tpu.memory_space<hbm>>
      %dma_wait3A_328 = arith.constant 64 : i32
      %dma_wait3A_329 = arith.constant 0 : i32
      %dma_wait3A_330 = tpu.memref_slice %arg8[%dma_wait3A_320, %dma_wait3A_328, %dma_wait3A_329] : memref<4x128x128xf32, #tpu.memory_space<vmem>> -> memref<1x64x128xf32, #tpu.memory_space<vmem>>
      %dma_wait3A_331 = tpu.memref_squeeze %dma_wait3A_330 : memref<1x64x128xf32, #tpu.memory_space<vmem>> -> memref<64x128xf32, #tpu.memory_space<vmem>>
      %dma_wait3A_332 = arith.constant 0 : i32
      %dma_wait3A_333 = arith.constant 0 : i32
      %dma_wait3A_334 = tpu.memref_slice %arg3[%dma_wait3A_332, %dma_wait3A_333] : memref<100000x128xf32, #tpu.memory_space<hbm>> -> memref<64x128xf32, #tpu.memory_space<hbm>>
      tpu.wait_dma2 semaphore(%arg9 : memref<!tpu.dma_semaphore, #tpu.memory_space<semaphore_mem>>) src(%dma_wait3A_334 : memref<64x128xf32, #tpu.memory_space<hbm>>) dst(%dma_wait3A_331 : memref<64x128xf32, #tpu.memory_space<vmem>>)
      %parallel_loop3A_335 = arith.constant 0 : i32
      %parallel_loop3A_336 = arith.constant 128 : i32
      %parallel_loop3A_337 = arith.constant 1 : i32
      scf.for %parallel_loop3A_550 = %parallel_loop3A_335 to %parallel_loop3A_336 step %parallel_loop3A_337  : i32 {
        %parallel_loop3A_551 = arith.constant 64 : i32
        %parallel_loop3A_552 = arith.remsi %parallel_loop3A_550, %parallel_loop3A_551 : i32
        %parallel_loop3A_553 = arith.index_cast %parallel_loop3A_552 : i32 to index
        %parallel_loop3A_554 = arith.constant 0 : index
        %parallel_loop3A_555 = tpu.vector_load %arg7[%parallel_loop3A_553, %parallel_loop3A_554] {strides = array<i32>} : memref<64x128xf32, #tpu.memory_space<vmem>>, vector<1x16xf32>,
        %parallel_loop3A_556 = vector.shape_cast %parallel_loop3A_555 : vector<1x16xf32> to vector<16xf32>
        %parallel_loop3A_557 = arith.constant 1 : i32
        %parallel_loop3A_558 = arith.index_cast %parallel_loop3A_557 : i32 to index
        %parallel_loop3A_559 = arith.index_cast %parallel_loop3A_550 : i32 to index
        %parallel_loop3A_560 = arith.constant 0 : index
        %parallel_loop3A_561 = tpu.vector_load %arg8[%parallel_loop3A_558, %parallel_loop3A_559, %parallel_loop3A_560] {strides = array<i32>} : memref<4x128x128xf32, #tpu.memory_space<vmem>>, vector<1x1x16xf32>,
        %parallel_loop3A_562 = vector.shape_cast %parallel_loop3A_561 : vector<1x1x16xf32> to vector<16xf32>
        %parallel_loop3A_563 = vector.shape_cast %parallel_loop3A_556 : vector<16xf32> to vector<1x1x16xf32>
        tpu.vector_store %arg8[%parallel_loop3A_558, %parallel_loop3A_559, %parallel_loop3A_560], %parallel_loop3A_563 {add = true, strides = array<i32>} : memref<4x128x128xf32, #tpu.memory_space<vmem>>, vector<1x1x16xf32>,
        %parallel_loop3A_564 = arith.index_cast %parallel_loop3A_552 : i32 to index
        %parallel_loop3A_565 = arith.constant 16 : index
        %parallel_loop3A_566 = tpu.vector_load %arg7[%parallel_loop3A_564, %parallel_loop3A_565] {strides = array<i32>} : memref<64x128xf32, #tpu.memory_space<vmem>>, vector<1x16xf32>,
        %parallel_loop3A_567 = vector.shape_cast %parallel_loop3A_566 : vector<1x16xf32> to vector<16xf32>
        %parallel_loop3A_568 = arith.constant 1 : i32
        %parallel_loop3A_569 = arith.index_cast %parallel_loop3A_568 : i32 to index
        %parallel_loop3A_570 = arith.index_cast %parallel_loop3A_550 : i32 to index
        %parallel_loop3A_571 = arith.constant 16 : index
        %parallel_loop3A_572 = tpu.vector_load %arg8[%parallel_loop3A_569, %parallel_loop3A_570, %parallel_loop3A_571] {strides = array<i32>} : memref<4x128x128xf32, #tpu.memory_space<vmem>>, vector<1x1x16xf32>,
        %parallel_loop3A_573 = vector.shape_cast %parallel_loop3A_572 : vector<1x1x16xf32> to vector<16xf32>
        %parallel_loop3A_574 = vector.shape_cast %parallel_loop3A_567 : vector<16xf32> to vector<1x1x16xf32>
        tpu.vector_store %arg8[%parallel_loop3A_569, %parallel_loop3A_570, %parallel_loop3A_571], %parallel_loop3A_574 {add = true, strides = array<i32>} : memref<4x128x128xf32, #tpu.memory_space<vmem>>, vector<1x1x16xf32>,
        %parallel_loop3A_575 = arith.index_cast %parallel_loop3A_552 : i32 to index
        %parallel_loop3A_576 = arith.constant 32 : index
        %parallel_loop3A_577 = tpu.vector_load %arg7[%parallel_loop3A_575, %parallel_loop3A_576] {strides = array<i32>} : memref<64x128xf32, #tpu.memory_space<vmem>>, vector<1x16xf32>,
        %parallel_loop3A_578 = vector.shape_cast %parallel_loop3A_577 : vector<1x16xf32> to vector<16xf32>
        %parallel_loop3A_579 = arith.constant 1 : i32
        %parallel_loop3A_580 = arith.index_cast %parallel_loop3A_579 : i32 to index
        %parallel_loop3A_581 = arith.index_cast %parallel_loop3A_550 : i32 to index
        %parallel_loop3A_582 = arith.constant 32 : index
        %parallel_loop3A_583 = tpu.vector_load %arg8[%parallel_loop3A_580, %parallel_loop3A_581, %parallel_loop3A_582] {strides = array<i32>} : memref<4x128x128xf32, #tpu.memory_space<vmem>>, vector<1x1x16xf32>,
        %parallel_loop3A_584 = vector.shape_cast %parallel_loop3A_583 : vector<1x1x16xf32> to vector<16xf32>
        %parallel_loop3A_585 = vector.shape_cast %parallel_loop3A_578 : vector<16xf32> to vector<1x1x16xf32>
        tpu.vector_store %arg8[%parallel_loop3A_580, %parallel_loop3A_581, %parallel_loop3A_582], %parallel_loop3A_585 {add = true, strides = array<i32>} : memref<4x128x128xf32, #tpu.memory_space<vmem>>, vector<1x1x16xf32>,
        %parallel_loop3A_586 = arith.index_cast %parallel_loop3A_552 : i32 to index
        %parallel_loop3A_587 = arith.constant 48 : index
        %parallel_loop3A_588 = tpu.vector_load %arg7[%parallel_loop3A_586, %parallel_loop3A_587] {strides = array<i32>} : memref<64x128xf32, #tpu.memory_space<vmem>>, vector<1x16xf32>,
        %parallel_loop3A_589 = vector.shape_cast %parallel_loop3A_588 : vector<1x16xf32> to vector<16xf32>
        %parallel_loop3A_590 = arith.constant 1 : i32
        %parallel_loop3A_591 = arith.index_cast %parallel_loop3A_590 : i32 to index
        %parallel_loop3A_592 = arith.index_cast %parallel_loop3A_550 : i32 to index
        %parallel_loop3A_593 = arith.constant 48 : index
        %parallel_loop3A_594 = tpu.vector_load %arg8[%parallel_loop3A_591, %parallel_loop3A_592, %parallel_loop3A_593] {strides = array<i32>} : memref<4x128x128xf32, #tpu.memory_space<vmem>>, vector<1x1x16xf32>,
        %parallel_loop3A_595 = vector.shape_cast %parallel_loop3A_594 : vector<1x1x16xf32> to vector<16xf32>
        %parallel_loop3A_596 = vector.shape_cast %parallel_loop3A_589 : vector<16xf32> to vector<1x1x16xf32>
        tpu.vector_store %arg8[%parallel_loop3A_591, %parallel_loop3A_592, %parallel_loop3A_593], %parallel_loop3A_596 {add = true, strides = array<i32>} : memref<4x128x128xf32, #tpu.memory_space<vmem>>, vector<1x1x16xf32>,
        %parallel_loop3A_597 = arith.index_cast %parallel_loop3A_552 : i32 to index
        %parallel_loop3A_598 = arith.constant 64 : index
        %parallel_loop3A_599 = tpu.vector_load %arg7[%parallel_loop3A_597, %parallel_loop3A_598] {strides = array<i32>} : memref<64x128xf32, #tpu.memory_space<vmem>>, vector<1x16xf32>,
        %parallel_loop3A_600 = vector.shape_cast %parallel_loop3A_599 : vector<1x16xf32> to vector<16xf32>
        %parallel_loop3A_601 = arith.constant 1 : i32
        %parallel_loop3A_602 = arith.index_cast %parallel_loop3A_601 : i32 to index
        %parallel_loop3A_603 = arith.index_cast %parallel_loop3A_550 : i32 to index
        %parallel_loop3A_604 = arith.constant 64 : index
        %parallel_loop3A_605 = tpu.vector_load %arg8[%parallel_loop3A_602, %parallel_loop3A_603, %parallel_loop3A_604] {strides = array<i32>} : memref<4x128x128xf32, #tpu.memory_space<vmem>>, vector<1x1x16xf32>,
        %parallel_loop3A_606 = vector.shape_cast %parallel_loop3A_605 : vector<1x1x16xf32> to vector<16xf32>
        %parallel_loop3A_607 = vector.shape_cast %parallel_loop3A_600 : vector<16xf32> to vector<1x1x16xf32>
        tpu.vector_store %arg8[%parallel_loop3A_602, %parallel_loop3A_603, %parallel_loop3A_604], %parallel_loop3A_607 {add = true, strides = array<i32>} : memref<4x128x128xf32, #tpu.memory_space<vmem>>, vector<1x1x16xf32>,
        %parallel_loop3A_608 = arith.index_cast %parallel_loop3A_552 : i32 to index
        %parallel_loop3A_609 = arith.constant 80 : index
        %parallel_loop3A_610 = tpu.vector_load %arg7[%parallel_loop3A_608, %parallel_loop3A_609] {strides = array<i32>} : memref<64x128xf32, #tpu.memory_space<vmem>>, vector<1x16xf32>,
        %parallel_loop3A_611 = vector.shape_cast %parallel_loop3A_610 : vector<1x16xf32> to vector<16xf32>
        %parallel_loop3A_612 = arith.constant 1 : i32
        %parallel_loop3A_613 = arith.index_cast %parallel_loop3A_612 : i32 to index
        %parallel_loop3A_614 = arith.index_cast %parallel_loop3A_550 : i32 to index
        %parallel_loop3A_615 = arith.constant 80 : index
        %parallel_loop3A_616 = tpu.vector_load %arg8[%parallel_loop3A_613, %parallel_loop3A_614, %parallel_loop3A_615] {strides = array<i32>} : memref<4x128x128xf32, #tpu.memory_space<vmem>>, vector<1x1x16xf32>,
        %parallel_loop3A_617 = vector.shape_cast %parallel_loop3A_616 : vector<1x1x16xf32> to vector<16xf32>
        %parallel_loop3A_618 = vector.shape_cast %parallel_loop3A_611 : vector<16xf32> to vector<1x1x16xf32>
        tpu.vector_store %arg8[%parallel_loop3A_613, %parallel_loop3A_614, %parallel_loop3A_615], %parallel_loop3A_618 {add = true, strides = array<i32>} : memref<4x128x128xf32, #tpu.memory_space<vmem>>, vector<1x1x16xf32>,
        %parallel_loop3A_619 = arith.index_cast %parallel_loop3A_552 : i32 to index
        %parallel_loop3A_620 = arith.constant 96 : index
        %parallel_loop3A_621 = tpu.vector_load %arg7[%parallel_loop3A_619, %parallel_loop3A_620] {strides = array<i32>} : memref<64x128xf32, #tpu.memory_space<vmem>>, vector<1x16xf32>,
        %parallel_loop3A_622 = vector.shape_cast %parallel_loop3A_621 : vector<1x16xf32> to vector<16xf32>
        %parallel_loop3A_623 = arith.constant 1 : i32
        %parallel_loop3A_624 = arith.index_cast %parallel_loop3A_623 : i32 to index
        %parallel_loop3A_625 = arith.index_cast %parallel_loop3A_550 : i32 to index
        %parallel_loop3A_626 = arith.constant 96 : index
        %parallel_loop3A_627 = tpu.vector_load %arg8[%parallel_loop3A_624, %parallel_loop3A_625, %parallel_loop3A_626] {strides = array<i32>} : memref<4x128x128xf32, #tpu.memory_space<vmem>>, vector<1x1x16xf32>,
        %parallel_loop3A_628 = vector.shape_cast %parallel_loop3A_627 : vector<1x1x16xf32> to vector<16xf32>
        %parallel_loop3A_629 = vector.shape_cast %parallel_loop3A_622 : vector<16xf32> to vector<1x1x16xf32>
        tpu.vector_store %arg8[%parallel_loop3A_624, %parallel_loop3A_625, %parallel_loop3A_626], %parallel_loop3A_629 {add = true, strides = array<i32>} : memref<4x128x128xf32, #tpu.memory_space<vmem>>, vector<1x1x16xf32>,
        %parallel_loop3A_630 = arith.index_cast %parallel_loop3A_552 : i32 to index
        %parallel_loop3A_631 = arith.constant 112 : index
        %parallel_loop3A_632 = tpu.vector_load %arg7[%parallel_loop3A_630, %parallel_loop3A_631] {strides = array<i32>} : memref<64x128xf32, #tpu.memory_space<vmem>>, vector<1x16xf32>,
        %parallel_loop3A_633 = vector.shape_cast %parallel_loop3A_632 : vector<1x16xf32> to vector<16xf32>
        %parallel_loop3A_634 = arith.constant 1 : i32
        %parallel_loop3A_635 = arith.index_cast %parallel_loop3A_634 : i32 to index
        %parallel_loop3A_636 = arith.index_cast %parallel_loop3A_550 : i32 to index
        %parallel_loop3A_637 = arith.constant 112 : index
        %parallel_loop3A_638 = tpu.vector_load %arg8[%parallel_loop3A_635, %parallel_loop3A_636, %parallel_loop3A_637] {strides = array<i32>} : memref<4x128x128xf32, #tpu.memory_space<vmem>>, vector<1x1x16xf32>,
        %parallel_loop3A_639 = vector.shape_cast %parallel_loop3A_638 : vector<1x1x16xf32> to vector<16xf32>
        %parallel_loop3A_640 = vector.shape_cast %parallel_loop3A_633 : vector<16xf32> to vector<1x1x16xf32>
        tpu.vector_store %arg8[%parallel_loop3A_635, %parallel_loop3A_636, %parallel_loop3A_637], %parallel_loop3A_640 {add = true, strides = array<i32>} : memref<4x128x128xf32, #tpu.memory_space<vmem>>, vector<1x1x16xf32>,
      } {sc.loop_unroll_factor = 4 : i64, sc.parallel_access}
      %mul3A_338 = arith.constant 2 : i32
      %mul3A_339 = arith.muli %add3A_304, %mul3A_338 : i32
      %add3A_340 = arith.constant 0 : i32
      %add3A_341 = arith.addi %mul3A_339, %add3A_340 : i32
      %mul3A_342 = arith.constant 2048 : i32
      %mul3A_343 = arith.muli %add3A_341, %mul3A_342 : i32
      %add3A_344 = arith.addi %mul3A_343, %mul3A_2 : i32
      %dma_start3A_345 = arith.constant 1 : i32
      %dma_start3A_346 = arith.constant 0 : i32
      %dma_start3A_347 = arith.constant 0 : i32
      %dma_start3A_348 = tpu.memref_slice %arg8[%dma_start3A_345, %dma_start3A_346, %dma_start3A_347] : memref<4x128x128xf32, #tpu.memory_space<vmem>> -> memref<1x64x128xf32, #tpu.memory_space<vmem>>
      %dma_start3A_349 = tpu.memref_squeeze %dma_start3A_348 : memref<1x64x128xf32, #tpu.memory_space<vmem>> -> memref<64x128xf32, #tpu.memory_space<vmem>>
      %dma_start3A_350 = arith.constant 0 : i32
      %dma_start3A_351 = tpu.memref_slice %arg5[%add3A_344, %dma_start3A_350] : memref<32768x128xf32, #tpu.memory_space<hbm>> -> memref<64x128xf32, #tpu.memory_space<hbm>>
      %dma_start3A_352 = arith.constant 0 : i32
      %dma_start3A_353 = tpu.memref_slice %arg5[%add3A_344, %dma_start3A_352] : memref<32768x128xf32, #tpu.memory_space<hbm>> -> memref<64x128xf32, #tpu.memory_space<hbm>>
      %dma_start3A_354 = arith.constant 0 : i32
      %dma_start3A_355 = arith.constant 0 : i32
      %dma_start3A_356 = tpu.memref_slice %arg8[%dma_start3A_345, %dma_start3A_354, %dma_start3A_355] : memref<4x128x128xf32, #tpu.memory_space<vmem>> -> memref<1x64x128xf32, #tpu.memory_space<vmem>>
      %dma_start3A_357 = tpu.memref_squeeze %dma_start3A_356 : memref<1x64x128xf32, #tpu.memory_space<vmem>> -> memref<64x128xf32, #tpu.memory_space<vmem>>
      tpu.enqueue_dma source(%dma_start3A_357 : memref<64x128xf32, #tpu.memory_space<vmem>>) target(%dma_start3A_353 : memref<64x128xf32, #tpu.memory_space<hbm>>) target_semaphore(%arg10 : memref<!tpu.dma_semaphore, #tpu.memory_space<semaphore_mem>>)
      %mul3A_358 = arith.constant 2 : i32
      %mul3A_359 = arith.muli %add3A_304, %mul3A_358 : i32
      %add3A_360 = arith.constant 1 : i32
      %add3A_361 = arith.addi %mul3A_359, %add3A_360 : i32
      %mul3A_362 = arith.constant 2048 : i32
      %mul3A_363 = arith.muli %add3A_361, %mul3A_362 : i32
      %add3A_364 = arith.addi %mul3A_363, %mul3A_2 : i32
      %dma_start3A_365 = arith.constant 1 : i32
      %dma_start3A_366 = arith.constant 64 : i32
      %dma_start3A_367 = arith.constant 0 : i32
      %dma_start3A_368 = tpu.memref_slice %arg8[%dma_start3A_365, %dma_start3A_366, %dma_start3A_367] : memref<4x128x128xf32, #tpu.memory_space<vmem>> -> memref<1x64x128xf32, #tpu.memory_space<vmem>>
      %dma_start3A_369 = tpu.memref_squeeze %dma_start3A_368 : memref<1x64x128xf32, #tpu.memory_space<vmem>> -> memref<64x128xf32, #tpu.memory_space<vmem>>
      %dma_start3A_370 = arith.constant 0 : i32
      %dma_start3A_371 = tpu.memref_slice %arg5[%add3A_364, %dma_start3A_370] : memref<32768x128xf32, #tpu.memory_space<hbm>> -> memref<64x128xf32, #tpu.memory_space<hbm>>
      %dma_start3A_372 = arith.constant 0 : i32
      %dma_start3A_373 = tpu.memref_slice %arg5[%add3A_364, %dma_start3A_372] : memref<32768x128xf32, #tpu.memory_space<hbm>> -> memref<64x128xf32, #tpu.memory_space<hbm>>
      %dma_start3A_374 = arith.constant 64 : i32
      %dma_start3A_375 = arith.constant 0 : i32
      %dma_start3A_376 = tpu.memref_slice %arg8[%dma_start3A_365, %dma_start3A_374, %dma_start3A_375] : memref<4x128x128xf32, #tpu.memory_space<vmem>> -> memref<1x64x128xf32, #tpu.memory_space<vmem>>
      %dma_start3A_377 = tpu.memref_squeeze %dma_start3A_376 : memref<1x64x128xf32, #tpu.memory_space<vmem>> -> memref<64x128xf32, #tpu.memory_space<vmem>>
      tpu.enqueue_dma source(%dma_start3A_377 : memref<64x128xf32, #tpu.memory_space<vmem>>) target(%dma_start3A_373 : memref<64x128xf32, #tpu.memory_space<hbm>>) target_semaphore(%arg10 : memref<!tpu.dma_semaphore, #tpu.memory_space<semaphore_mem>>)
      %add3A_378 = arith.constant 3 : i32
      %add3A_379 = arith.addi %add3A_304, %add3A_378 : i32
      %lt3A_380 = arith.constant 8 : i32
      %lt3A_381 = arith.cmpi slt, %add3A_379, %lt3A_380 : i32
      %convert_element_type3A_382 = arith.extui %lt3A_381 : i1 to i32
      %cond3A_383 = arith.constant 0 : i32
      %cond3A_384 = arith.cmpi ne, %convert_element_type3A_382, %cond3A_383 : i32
      scf.if %cond3A_384 {
        %ge3A = arith.constant 1 : i32
        %ge3A_550 = arith.cmpi sge, %add3A_304, %ge3A : i32
        %convert_element_type3A_551 = arith.extui %ge3A_550 : i1 to i32
        %cond3A_552 = arith.constant 0 : i32
        %cond3A_553 = arith.cmpi ne, %convert_element_type3A_551, %cond3A_552 : i32
        scf.if %cond3A_553 {
          %dma_wait3A_582 = arith.constant 0 : i32
          %dma_wait3A_583 = arith.constant 0 : i32
          %dma_wait3A_584 = arith.constant 0 : i32
          %dma_wait3A_585 = tpu.memref_slice %arg8[%dma_wait3A_582, %dma_wait3A_583, %dma_wait3A_584] : memref<4x128x128xf32, #tpu.memory_space<vmem>> -> memref<1x64x128xf32, #tpu.memory_space<vmem>>
          %dma_wait3A_586 = tpu.memref_squeeze %dma_wait3A_585 : memref<1x64x128xf32, #tpu.memory_space<vmem>> -> memref<64x128xf32, #tpu.memory_space<vmem>>
          %dma_wait3A_587 = arith.constant 0 : i32
          %dma_wait3A_588 = arith.constant 0 : i32
          %dma_wait3A_589 = tpu.memref_slice %arg5[%dma_wait3A_587, %dma_wait3A_588] : memref<32768x128xf32, #tpu.memory_space<hbm>> -> memref<64x128xf32, #tpu.memory_space<hbm>>
          %dma_wait3A_590 = arith.constant 0 : i32
          %dma_wait3A_591 = arith.constant 0 : i32
          %dma_wait3A_592 = tpu.memref_slice %arg5[%dma_wait3A_590, %dma_wait3A_591] : memref<32768x128xf32, #tpu.memory_space<hbm>> -> memref<64x128xf32, #tpu.memory_space<hbm>>
          %dma_wait3A_593 = arith.constant 0 : i32
          %dma_wait3A_594 = arith.constant 0 : i32
          %dma_wait3A_595 = tpu.memref_slice %arg8[%dma_wait3A_582, %dma_wait3A_593, %dma_wait3A_594] : memref<4x128x128xf32, #tpu.memory_space<vmem>> -> memref<1x64x128xf32, #tpu.memory_space<vmem>>
          %dma_wait3A_596 = tpu.memref_squeeze %dma_wait3A_595 : memref<1x64x128xf32, #tpu.memory_space<vmem>> -> memref<64x128xf32, #tpu.memory_space<vmem>>
          tpu.wait_dma2 semaphore(%arg10 : memref<!tpu.dma_semaphore, #tpu.memory_space<semaphore_mem>>) src(%dma_wait3A_596 : memref<64x128xf32, #tpu.memory_space<vmem>>) dst(%dma_wait3A_592 : memref<64x128xf32, #tpu.memory_space<hbm>>)
          %dma_wait3A_597 = arith.constant 0 : i32
          %dma_wait3A_598 = arith.constant 64 : i32
          %dma_wait3A_599 = arith.constant 0 : i32
          %dma_wait3A_600 = tpu.memref_slice %arg8[%dma_wait3A_597, %dma_wait3A_598, %dma_wait3A_599] : memref<4x128x128xf32, #tpu.memory_space<vmem>> -> memref<1x64x128xf32, #tpu.memory_space<vmem>>
          %dma_wait3A_601 = tpu.memref_squeeze %dma_wait3A_600 : memref<1x64x128xf32, #tpu.memory_space<vmem>> -> memref<64x128xf32, #tpu.memory_space<vmem>>
          %dma_wait3A_602 = arith.constant 0 : i32
          %dma_wait3A_603 = arith.constant 0 : i32
          %dma_wait3A_604 = tpu.memref_slice %arg5[%dma_wait3A_602, %dma_wait3A_603] : memref<32768x128xf32, #tpu.memory_space<hbm>> -> memref<64x128xf32, #tpu.memory_space<hbm>>
          %dma_wait3A_605 = arith.constant 0 : i32
          %dma_wait3A_606 = arith.constant 0 : i32
          %dma_wait3A_607 = tpu.memref_slice %arg5[%dma_wait3A_605, %dma_wait3A_606] : memref<32768x128xf32, #tpu.memory_space<hbm>> -> memref<64x128xf32, #tpu.memory_space<hbm>>
          %dma_wait3A_608 = arith.constant 64 : i32
          %dma_wait3A_609 = arith.constant 0 : i32
          %dma_wait3A_610 = tpu.memref_slice %arg8[%dma_wait3A_597, %dma_wait3A_608, %dma_wait3A_609] : memref<4x128x128xf32, #tpu.memory_space<vmem>> -> memref<1x64x128xf32, #tpu.memory_space<vmem>>
          %dma_wait3A_611 = tpu.memref_squeeze %dma_wait3A_610 : memref<1x64x128xf32, #tpu.memory_space<vmem>> -> memref<64x128xf32, #tpu.memory_space<vmem>>
          tpu.wait_dma2 semaphore(%arg10 : memref<!tpu.dma_semaphore, #tpu.memory_space<semaphore_mem>>) src(%dma_wait3A_611 : memref<64x128xf32, #tpu.memory_space<vmem>>) dst(%dma_wait3A_607 : memref<64x128xf32, #tpu.memory_space<hbm>>)
        } else {
        }
        %mul3A_554 = arith.constant 2 : i32
        %mul3A_555 = arith.muli %add3A_379, %mul3A_554 : i32
        %add3A_556 = arith.constant 0 : i32
        %add3A_557 = arith.addi %mul3A_555, %add3A_556 : i32
        %dma_start3A_558 = arith.constant 0 : i32
        %dma_start3A_559 = arith.constant 0 : i32
        %dma_start3A_560 = arith.constant 0 : i32
        %dma_start3A_561 = tpu.memref_slice %arg8[%dma_start3A_558, %dma_start3A_559, %dma_start3A_560] : memref<4x128x128xf32, #tpu.memory_space<vmem>> -> memref<1x64x128xf32, #tpu.memory_space<vmem>>
        %dma_start3A_562 = tpu.memref_squeeze %dma_start3A_561 : memref<1x64x128xf32, #tpu.memory_space<vmem>> -> memref<64x128xf32, #tpu.memory_space<vmem>>
        %dma_start3A_563 = tpu.memref_slice %arg6[%add3A_557, %rem3A_22] : memref<16x128xi32, #tpu.memory_space<vmem>> -> memref<1x64xi32, #tpu.memory_space<vmem>>
        %dma_start3A_564 = tpu.memref_squeeze %dma_start3A_563 : memref<1x64xi32, #tpu.memory_space<vmem>> -> memref<64xi32, #tpu.memory_space<vmem>>
        %dma_start3A_565 = arith.constant 0 : i32
        %dma_start3A_566 = arith.constant 0 : i32
        %dma_start3A_567 = tpu.memref_slice %arg3[%dma_start3A_565, %dma_start3A_566] : memref<100000x128xf32, #tpu.memory_space<hbm>> -> memref<100000x128xf32, #tpu.memory_space<hbm>>
        tpu.enqueue_indirect_dma source(%dma_start3A_567 : memref<100000x128xf32, #tpu.memory_space<hbm>>) target(%dma_start3A_562 : memref<64x128xf32, #tpu.memory_space<vmem>>) offsets(%dma_start3A_564 : memref<64xi32, #tpu.memory_space<vmem>>) semaphore(%arg9 : memref<!tpu.dma_semaphore, #tpu.memory_space<semaphore_mem>>)
        %mul3A_568 = arith.constant 2 : i32
        %mul3A_569 = arith.muli %add3A_379, %mul3A_568 : i32
        %add3A_570 = arith.constant 1 : i32
        %add3A_571 = arith.addi %mul3A_569, %add3A_570 : i32
        %dma_start3A_572 = arith.constant 0 : i32
        %dma_start3A_573 = arith.constant 64 : i32
        %dma_start3A_574 = arith.constant 0 : i32
        %dma_start3A_575 = tpu.memref_slice %arg8[%dma_start3A_572, %dma_start3A_573, %dma_start3A_574] : memref<4x128x128xf32, #tpu.memory_space<vmem>> -> memref<1x64x128xf32, #tpu.memory_space<vmem>>
        %dma_start3A_576 = tpu.memref_squeeze %dma_start3A_575 : memref<1x64x128xf32, #tpu.memory_space<vmem>> -> memref<64x128xf32, #tpu.memory_space<vmem>>
        %dma_start3A_577 = tpu.memref_slice %arg6[%add3A_571, %rem3A_22] : memref<16x128xi32, #tpu.memory_space<vmem>> -> memref<1x64xi32, #tpu.memory_space<vmem>>
        %dma_start3A_578 = tpu.memref_squeeze %dma_start3A_577 : memref<1x64xi32, #tpu.memory_space<vmem>> -> memref<64xi32, #tpu.memory_space<vmem>>
        %dma_start3A_579 = arith.constant 0 : i32
        %dma_start3A_580 = arith.constant 0 : i32
        %dma_start3A_581 = tpu.memref_slice %arg3[%dma_start3A_579, %dma_start3A_580] : memref<100000x128xf32, #tpu.memory_space<hbm>> -> memref<100000x128xf32, #tpu.memory_space<hbm>>
        tpu.enqueue_indirect_dma source(%dma_start3A_581 : memref<100000x128xf32, #tpu.memory_space<hbm>>) target(%dma_start3A_576 : memref<64x128xf32, #tpu.memory_space<vmem>>) offsets(%dma_start3A_578 : memref<64xi32, #tpu.memory_space<vmem>>) semaphore(%arg9 : memref<!tpu.dma_semaphore, #tpu.memory_space<semaphore_mem>>)
      } else {
      }
      %add3A_385 = arith.constant 2 : i32
      %add3A_386 = arith.addi %mul3A_224, %add3A_385 : i32
      %dma_wait3A_387 = arith.constant 2 : i32
      %dma_wait3A_388 = arith.constant 0 : i32
      %dma_wait3A_389 = arith.constant 0 : i32
      %dma_wait3A_390 = tpu.memref_slice %arg8[%dma_wait3A_387, %dma_wait3A_388, %dma_wait3A_389] : memref<4x128x128xf32, #tpu.memory_space<vmem>> -> memref<1x64x128xf32, #tpu.memory_space<vmem>>
      %dma_wait3A_391 = tpu.memref_squeeze %dma_wait3A_390 : memref<1x64x128xf32, #tpu.memory_space<vmem>> -> memref<64x128xf32, #tpu.memory_space<vmem>>
      %dma_wait3A_392 = arith.constant 0 : i32
      %dma_wait3A_393 = arith.constant 0 : i32
      %dma_wait3A_394 = tpu.memref_slice %arg3[%dma_wait3A_392, %dma_wait3A_393] : memref<100000x128xf32, #tpu.memory_space<hbm>> -> memref<64x128xf32, #tpu.memory_space<hbm>>
      %dma_wait3A_395 = arith.constant 0 : i32
      %dma_wait3A_396 = arith.constant 0 : i32
      %dma_wait3A_397 = tpu.memref_slice %arg8[%dma_wait3A_387, %dma_wait3A_395, %dma_wait3A_396] : memref<4x128x128xf32, #tpu.memory_space<vmem>> -> memref<1x64x128xf32, #tpu.memory_space<vmem>>
      %dma_wait3A_398 = tpu.memref_squeeze %dma_wait3A_397 : memref<1x64x128xf32, #tpu.memory_space<vmem>> -> memref<64x128xf32, #tpu.memory_space<vmem>>
      %dma_wait3A_399 = arith.constant 0 : i32
      %dma_wait3A_400 = arith.constant 0 : i32
      %dma_wait3A_401 = tpu.memref_slice %arg3[%dma_wait3A_399, %dma_wait3A_400] : memref<100000x128xf32, #tpu.memory_space<hbm>> -> memref<64x128xf32, #tpu.memory_space<hbm>>
      tpu.wait_dma2 semaphore(%arg9 : memref<!tpu.dma_semaphore, #tpu.memory_space<semaphore_mem>>) src(%dma_wait3A_401 : memref<64x128xf32, #tpu.memory_space<hbm>>) dst(%dma_wait3A_398 : memref<64x128xf32, #tpu.memory_space<vmem>>)
      %dma_wait3A_402 = arith.constant 2 : i32
      %dma_wait3A_403 = arith.constant 64 : i32
      %dma_wait3A_404 = arith.constant 0 : i32
      %dma_wait3A_405 = tpu.memref_slice %arg8[%dma_wait3A_402, %dma_wait3A_403, %dma_wait3A_404] : memref<4x128x128xf32, #tpu.memory_space<vmem>> -> memref<1x64x128xf32, #tpu.memory_space<vmem>>
      %dma_wait3A_406 = tpu.memref_squeeze %dma_wait3A_405 : memref<1x64x128xf32, #tpu.memory_space<vmem>> -> memref<64x128xf32, #tpu.memory_space<vmem>>
      %dma_wait3A_407 = arith.constant 0 : i32
      %dma_wait3A_408 = arith.constant 0 : i32
      %dma_wait3A_409 = tpu.memref_slice %arg3[%dma_wait3A_407, %dma_wait3A_408] : memref<100000x128xf32, #tpu.memory_space<hbm>> -> memref<64x128xf32, #tpu.memory_space<hbm>>
      %dma_wait3A_410 = arith.constant 64 : i32
      %dma_wait3A_411 = arith.constant 0 : i32
      %dma_wait3A_412 = tpu.memref_slice %arg8[%dma_wait3A_402, %dma_wait3A_410, %dma_wait3A_411] : memref<4x128x128xf32, #tpu.memory_space<vmem>> -> memref<1x64x128xf32, #tpu.memory_space<vmem>>
      %dma_wait3A_413 = tpu.memref_squeeze %dma_wait3A_412 : memref<1x64x128xf32, #tpu.memory_space<vmem>> -> memref<64x128xf32, #tpu.memory_space<vmem>>
      %dma_wait3A_414 = arith.constant 0 : i32
      %dma_wait3A_415 = arith.constant 0 : i32
      %dma_wait3A_416 = tpu.memref_slice %arg3[%dma_wait3A_414, %dma_wait3A_415] : memref<100000x128xf32, #tpu.memory_space<hbm>> -> memref<64x128xf32, #tpu.memory_space<hbm>>
      tpu.wait_dma2 semaphore(%arg9 : memref<!tpu.dma_semaphore, #tpu.memory_space<semaphore_mem>>) src(%dma_wait3A_416 : memref<64x128xf32, #tpu.memory_space<hbm>>) dst(%dma_wait3A_413 : memref<64x128xf32, #tpu.memory_space<vmem>>)
      %parallel_loop3A_417 = arith.constant 0 : i32
      %parallel_loop3A_418 = arith.constant 128 : i32
      %parallel_loop3A_419 = arith.constant 1 : i32
      scf.for %parallel_loop3A_550 = %parallel_loop3A_417 to %parallel_loop3A_418 step %parallel_loop3A_419  : i32 {
        %parallel_loop3A_551 = arith.constant 64 : i32
        %parallel_loop3A_552 = arith.remsi %parallel_loop3A_550, %parallel_loop3A_551 : i32
        %parallel_loop3A_553 = arith.index_cast %parallel_loop3A_552 : i32 to index
        %parallel_loop3A_554 = arith.constant 0 : index
        %parallel_loop3A_555 = tpu.vector_load %arg7[%parallel_loop3A_553, %parallel_loop3A_554] {strides = array<i32>} : memref<64x128xf32, #tpu.memory_space<vmem>>, vector<1x16xf32>,
        %parallel_loop3A_556 = vector.shape_cast %parallel_loop3A_555 : vector<1x16xf32> to vector<16xf32>
        %parallel_loop3A_557 = arith.constant 2 : i32
        %parallel_loop3A_558 = arith.index_cast %parallel_loop3A_557 : i32 to index
        %parallel_loop3A_559 = arith.index_cast %parallel_loop3A_550 : i32 to index
        %parallel_loop3A_560 = arith.constant 0 : index
        %parallel_loop3A_561 = tpu.vector_load %arg8[%parallel_loop3A_558, %parallel_loop3A_559, %parallel_loop3A_560] {strides = array<i32>} : memref<4x128x128xf32, #tpu.memory_space<vmem>>, vector<1x1x16xf32>,
        %parallel_loop3A_562 = vector.shape_cast %parallel_loop3A_561 : vector<1x1x16xf32> to vector<16xf32>
        %parallel_loop3A_563 = vector.shape_cast %parallel_loop3A_556 : vector<16xf32> to vector<1x1x16xf32>
        tpu.vector_store %arg8[%parallel_loop3A_558, %parallel_loop3A_559, %parallel_loop3A_560], %parallel_loop3A_563 {add = true, strides = array<i32>} : memref<4x128x128xf32, #tpu.memory_space<vmem>>, vector<1x1x16xf32>,
        %parallel_loop3A_564 = arith.index_cast %parallel_loop3A_552 : i32 to index
        %parallel_loop3A_565 = arith.constant 16 : index
        %parallel_loop3A_566 = tpu.vector_load %arg7[%parallel_loop3A_564, %parallel_loop3A_565] {strides = array<i32>} : memref<64x128xf32, #tpu.memory_space<vmem>>, vector<1x16xf32>,
        %parallel_loop3A_567 = vector.shape_cast %parallel_loop3A_566 : vector<1x16xf32> to vector<16xf32>
        %parallel_loop3A_568 = arith.constant 2 : i32
        %parallel_loop3A_569 = arith.index_cast %parallel_loop3A_568 : i32 to index
        %parallel_loop3A_570 = arith.index_cast %parallel_loop3A_550 : i32 to index
        %parallel_loop3A_571 = arith.constant 16 : index
        %parallel_loop3A_572 = tpu.vector_load %arg8[%parallel_loop3A_569, %parallel_loop3A_570, %parallel_loop3A_571] {strides = array<i32>} : memref<4x128x128xf32, #tpu.memory_space<vmem>>, vector<1x1x16xf32>,
        %parallel_loop3A_573 = vector.shape_cast %parallel_loop3A_572 : vector<1x1x16xf32> to vector<16xf32>
        %parallel_loop3A_574 = vector.shape_cast %parallel_loop3A_567 : vector<16xf32> to vector<1x1x16xf32>
        tpu.vector_store %arg8[%parallel_loop3A_569, %parallel_loop3A_570, %parallel_loop3A_571], %parallel_loop3A_574 {add = true, strides = array<i32>} : memref<4x128x128xf32, #tpu.memory_space<vmem>>, vector<1x1x16xf32>,
        %parallel_loop3A_575 = arith.index_cast %parallel_loop3A_552 : i32 to index
        %parallel_loop3A_576 = arith.constant 32 : index
        %parallel_loop3A_577 = tpu.vector_load %arg7[%parallel_loop3A_575, %parallel_loop3A_576] {strides = array<i32>} : memref<64x128xf32, #tpu.memory_space<vmem>>, vector<1x16xf32>,
        %parallel_loop3A_578 = vector.shape_cast %parallel_loop3A_577 : vector<1x16xf32> to vector<16xf32>
        %parallel_loop3A_579 = arith.constant 2 : i32
        %parallel_loop3A_580 = arith.index_cast %parallel_loop3A_579 : i32 to index
        %parallel_loop3A_581 = arith.index_cast %parallel_loop3A_550 : i32 to index
        %parallel_loop3A_582 = arith.constant 32 : index
        %parallel_loop3A_583 = tpu.vector_load %arg8[%parallel_loop3A_580, %parallel_loop3A_581, %parallel_loop3A_582] {strides = array<i32>} : memref<4x128x128xf32, #tpu.memory_space<vmem>>, vector<1x1x16xf32>,
        %parallel_loop3A_584 = vector.shape_cast %parallel_loop3A_583 : vector<1x1x16xf32> to vector<16xf32>
        %parallel_loop3A_585 = vector.shape_cast %parallel_loop3A_578 : vector<16xf32> to vector<1x1x16xf32>
        tpu.vector_store %arg8[%parallel_loop3A_580, %parallel_loop3A_581, %parallel_loop3A_582], %parallel_loop3A_585 {add = true, strides = array<i32>} : memref<4x128x128xf32, #tpu.memory_space<vmem>>, vector<1x1x16xf32>,
        %parallel_loop3A_586 = arith.index_cast %parallel_loop3A_552 : i32 to index
        %parallel_loop3A_587 = arith.constant 48 : index
        %parallel_loop3A_588 = tpu.vector_load %arg7[%parallel_loop3A_586, %parallel_loop3A_587] {strides = array<i32>} : memref<64x128xf32, #tpu.memory_space<vmem>>, vector<1x16xf32>,
        %parallel_loop3A_589 = vector.shape_cast %parallel_loop3A_588 : vector<1x16xf32> to vector<16xf32>
        %parallel_loop3A_590 = arith.constant 2 : i32
        %parallel_loop3A_591 = arith.index_cast %parallel_loop3A_590 : i32 to index
        %parallel_loop3A_592 = arith.index_cast %parallel_loop3A_550 : i32 to index
        %parallel_loop3A_593 = arith.constant 48 : index
        %parallel_loop3A_594 = tpu.vector_load %arg8[%parallel_loop3A_591, %parallel_loop3A_592, %parallel_loop3A_593] {strides = array<i32>} : memref<4x128x128xf32, #tpu.memory_space<vmem>>, vector<1x1x16xf32>,
        %parallel_loop3A_595 = vector.shape_cast %parallel_loop3A_594 : vector<1x1x16xf32> to vector<16xf32>
        %parallel_loop3A_596 = vector.shape_cast %parallel_loop3A_589 : vector<16xf32> to vector<1x1x16xf32>
        tpu.vector_store %arg8[%parallel_loop3A_591, %parallel_loop3A_592, %parallel_loop3A_593], %parallel_loop3A_596 {add = true, strides = array<i32>} : memref<4x128x128xf32, #tpu.memory_space<vmem>>, vector<1x1x16xf32>,
        %parallel_loop3A_597 = arith.index_cast %parallel_loop3A_552 : i32 to index
        %parallel_loop3A_598 = arith.constant 64 : index
        %parallel_loop3A_599 = tpu.vector_load %arg7[%parallel_loop3A_597, %parallel_loop3A_598] {strides = array<i32>} : memref<64x128xf32, #tpu.memory_space<vmem>>, vector<1x16xf32>,
        %parallel_loop3A_600 = vector.shape_cast %parallel_loop3A_599 : vector<1x16xf32> to vector<16xf32>
        %parallel_loop3A_601 = arith.constant 2 : i32
        %parallel_loop3A_602 = arith.index_cast %parallel_loop3A_601 : i32 to index
        %parallel_loop3A_603 = arith.index_cast %parallel_loop3A_550 : i32 to index
        %parallel_loop3A_604 = arith.constant 64 : index
        %parallel_loop3A_605 = tpu.vector_load %arg8[%parallel_loop3A_602, %parallel_loop3A_603, %parallel_loop3A_604] {strides = array<i32>} : memref<4x128x128xf32, #tpu.memory_space<vmem>>, vector<1x1x16xf32>,
        %parallel_loop3A_606 = vector.shape_cast %parallel_loop3A_605 : vector<1x1x16xf32> to vector<16xf32>
        %parallel_loop3A_607 = vector.shape_cast %parallel_loop3A_600 : vector<16xf32> to vector<1x1x16xf32>
        tpu.vector_store %arg8[%parallel_loop3A_602, %parallel_loop3A_603, %parallel_loop3A_604], %parallel_loop3A_607 {add = true, strides = array<i32>} : memref<4x128x128xf32, #tpu.memory_space<vmem>>, vector<1x1x16xf32>,
        %parallel_loop3A_608 = arith.index_cast %parallel_loop3A_552 : i32 to index
        %parallel_loop3A_609 = arith.constant 80 : index
        %parallel_loop3A_610 = tpu.vector_load %arg7[%parallel_loop3A_608, %parallel_loop3A_609] {strides = array<i32>} : memref<64x128xf32, #tpu.memory_space<vmem>>, vector<1x16xf32>,
        %parallel_loop3A_611 = vector.shape_cast %parallel_loop3A_610 : vector<1x16xf32> to vector<16xf32>
        %parallel_loop3A_612 = arith.constant 2 : i32
        %parallel_loop3A_613 = arith.index_cast %parallel_loop3A_612 : i32 to index
        %parallel_loop3A_614 = arith.index_cast %parallel_loop3A_550 : i32 to index
        %parallel_loop3A_615 = arith.constant 80 : index
        %parallel_loop3A_616 = tpu.vector_load %arg8[%parallel_loop3A_613, %parallel_loop3A_614, %parallel_loop3A_615] {strides = array<i32>} : memref<4x128x128xf32, #tpu.memory_space<vmem>>, vector<1x1x16xf32>,
        %parallel_loop3A_617 = vector.shape_cast %parallel_loop3A_616 : vector<1x1x16xf32> to vector<16xf32>
        %parallel_loop3A_618 = vector.shape_cast %parallel_loop3A_611 : vector<16xf32> to vector<1x1x16xf32>
        tpu.vector_store %arg8[%parallel_loop3A_613, %parallel_loop3A_614, %parallel_loop3A_615], %parallel_loop3A_618 {add = true, strides = array<i32>} : memref<4x128x128xf32, #tpu.memory_space<vmem>>, vector<1x1x16xf32>,
        %parallel_loop3A_619 = arith.index_cast %parallel_loop3A_552 : i32 to index
        %parallel_loop3A_620 = arith.constant 96 : index
        %parallel_loop3A_621 = tpu.vector_load %arg7[%parallel_loop3A_619, %parallel_loop3A_620] {strides = array<i32>} : memref<64x128xf32, #tpu.memory_space<vmem>>, vector<1x16xf32>,
        %parallel_loop3A_622 = vector.shape_cast %parallel_loop3A_621 : vector<1x16xf32> to vector<16xf32>
        %parallel_loop3A_623 = arith.constant 2 : i32
        %parallel_loop3A_624 = arith.index_cast %parallel_loop3A_623 : i32 to index
        %parallel_loop3A_625 = arith.index_cast %parallel_loop3A_550 : i32 to index
        %parallel_loop3A_626 = arith.constant 96 : index
        %parallel_loop3A_627 = tpu.vector_load %arg8[%parallel_loop3A_624, %parallel_loop3A_625, %parallel_loop3A_626] {strides = array<i32>} : memref<4x128x128xf32, #tpu.memory_space<vmem>>, vector<1x1x16xf32>,
        %parallel_loop3A_628 = vector.shape_cast %parallel_loop3A_627 : vector<1x1x16xf32> to vector<16xf32>
        %parallel_loop3A_629 = vector.shape_cast %parallel_loop3A_622 : vector<16xf32> to vector<1x1x16xf32>
        tpu.vector_store %arg8[%parallel_loop3A_624, %parallel_loop3A_625, %parallel_loop3A_626], %parallel_loop3A_629 {add = true, strides = array<i32>} : memref<4x128x128xf32, #tpu.memory_space<vmem>>, vector<1x1x16xf32>,
        %parallel_loop3A_630 = arith.index_cast %parallel_loop3A_552 : i32 to index
        %parallel_loop3A_631 = arith.constant 112 : index
        %parallel_loop3A_632 = tpu.vector_load %arg7[%parallel_loop3A_630, %parallel_loop3A_631] {strides = array<i32>} : memref<64x128xf32, #tpu.memory_space<vmem>>, vector<1x16xf32>,
        %parallel_loop3A_633 = vector.shape_cast %parallel_loop3A_632 : vector<1x16xf32> to vector<16xf32>
        %parallel_loop3A_634 = arith.constant 2 : i32
        %parallel_loop3A_635 = arith.index_cast %parallel_loop3A_634 : i32 to index
        %parallel_loop3A_636 = arith.index_cast %parallel_loop3A_550 : i32 to index
        %parallel_loop3A_637 = arith.constant 112 : index
        %parallel_loop3A_638 = tpu.vector_load %arg8[%parallel_loop3A_635, %parallel_loop3A_636, %parallel_loop3A_637] {strides = array<i32>} : memref<4x128x128xf32, #tpu.memory_space<vmem>>, vector<1x1x16xf32>,
        %parallel_loop3A_639 = vector.shape_cast %parallel_loop3A_638 : vector<1x1x16xf32> to vector<16xf32>
        %parallel_loop3A_640 = vector.shape_cast %parallel_loop3A_633 : vector<16xf32> to vector<1x1x16xf32>
        tpu.vector_store %arg8[%parallel_loop3A_635, %parallel_loop3A_636, %parallel_loop3A_637], %parallel_loop3A_640 {add = true, strides = array<i32>} : memref<4x128x128xf32, #tpu.memory_space<vmem>>, vector<1x1x16xf32>,
      } {sc.loop_unroll_factor = 4 : i64, sc.parallel_access}
      %mul3A_420 = arith.constant 2 : i32
      %mul3A_421 = arith.muli %add3A_386, %mul3A_420 : i32
      %add3A_422 = arith.constant 0 : i32
      %add3A_423 = arith.addi %mul3A_421, %add3A_422 : i32
      %mul3A_424 = arith.constant 2048 : i32
      %mul3A_425 = arith.muli %add3A_423, %mul3A_424 : i32
      %add3A_426 = arith.addi %mul3A_425, %mul3A_2 : i32
      %dma_start3A_427 = arith.constant 2 : i32
      %dma_start3A_428 = arith.constant 0 : i32
      %dma_start3A_429 = arith.constant 0 : i32
      %dma_start3A_430 = tpu.memref_slice %arg8[%dma_start3A_427, %dma_start3A_428, %dma_start3A_429] : memref<4x128x128xf32, #tpu.memory_space<vmem>> -> memref<1x64x128xf32, #tpu.memory_space<vmem>>
      %dma_start3A_431 = tpu.memref_squeeze %dma_start3A_430 : memref<1x64x128xf32, #tpu.memory_space<vmem>> -> memref<64x128xf32, #tpu.memory_space<vmem>>
      %dma_start3A_432 = arith.constant 0 : i32
      %dma_start3A_433 = tpu.memref_slice %arg5[%add3A_426, %dma_start3A_432] : memref<32768x128xf32, #tpu.memory_space<hbm>> -> memref<64x128xf32, #tpu.memory_space<hbm>>
      %dma_start3A_434 = arith.constant 0 : i32
      %dma_start3A_435 = tpu.memref_slice %arg5[%add3A_426, %dma_start3A_434] : memref<32768x128xf32, #tpu.memory_space<hbm>> -> memref<64x128xf32, #tpu.memory_space<hbm>>
      %dma_start3A_436 = arith.constant 0 : i32
      %dma_start3A_437 = arith.constant 0 : i32
      %dma_start3A_438 = tpu.memref_slice %arg8[%dma_start3A_427, %dma_start3A_436, %dma_start3A_437] : memref<4x128x128xf32, #tpu.memory_space<vmem>> -> memref<1x64x128xf32, #tpu.memory_space<vmem>>
      %dma_start3A_439 = tpu.memref_squeeze %dma_start3A_438 : memref<1x64x128xf32, #tpu.memory_space<vmem>> -> memref<64x128xf32, #tpu.memory_space<vmem>>
      tpu.enqueue_dma source(%dma_start3A_439 : memref<64x128xf32, #tpu.memory_space<vmem>>) target(%dma_start3A_435 : memref<64x128xf32, #tpu.memory_space<hbm>>) target_semaphore(%arg10 : memref<!tpu.dma_semaphore, #tpu.memory_space<semaphore_mem>>)
      %mul3A_440 = arith.constant 2 : i32
      %mul3A_441 = arith.muli %add3A_386, %mul3A_440 : i32
      %add3A_442 = arith.constant 1 : i32
      %add3A_443 = arith.addi %mul3A_441, %add3A_442 : i32
      %mul3A_444 = arith.constant 2048 : i32
      %mul3A_445 = arith.muli %add3A_443, %mul3A_444 : i32
      %add3A_446 = arith.addi %mul3A_445, %mul3A_2 : i32
      %dma_start3A_447 = arith.constant 2 : i32
      %dma_start3A_448 = arith.constant 64 : i32
      %dma_start3A_449 = arith.constant 0 : i32
      %dma_start3A_450 = tpu.memref_slice %arg8[%dma_start3A_447, %dma_start3A_448, %dma_start3A_449] : memref<4x128x128xf32, #tpu.memory_space<vmem>> -> memref<1x64x128xf32, #tpu.memory_space<vmem>>
      %dma_start3A_451 = tpu.memref_squeeze %dma_start3A_450 : memref<1x64x128xf32, #tpu.memory_space<vmem>> -> memref<64x128xf32, #tpu.memory_space<vmem>>
      %dma_start3A_452 = arith.constant 0 : i32
      %dma_start3A_453 = tpu.memref_slice %arg5[%add3A_446, %dma_start3A_452] : memref<32768x128xf32, #tpu.memory_space<hbm>> -> memref<64x128xf32, #tpu.memory_space<hbm>>
      %dma_start3A_454 = arith.constant 0 : i32
      %dma_start3A_455 = tpu.memref_slice %arg5[%add3A_446, %dma_start3A_454] : memref<32768x128xf32, #tpu.memory_space<hbm>> -> memref<64x128xf32, #tpu.memory_space<hbm>>
      %dma_start3A_456 = arith.constant 64 : i32
      %dma_start3A_457 = arith.constant 0 : i32
      %dma_start3A_458 = tpu.memref_slice %arg8[%dma_start3A_447, %dma_start3A_456, %dma_start3A_457] : memref<4x128x128xf32, #tpu.memory_space<vmem>> -> memref<1x64x128xf32, #tpu.memory_space<vmem>>
      %dma_start3A_459 = tpu.memref_squeeze %dma_start3A_458 : memref<1x64x128xf32, #tpu.memory_space<vmem>> -> memref<64x128xf32, #tpu.memory_space<vmem>>
      tpu.enqueue_dma source(%dma_start3A_459 : memref<64x128xf32, #tpu.memory_space<vmem>>) target(%dma_start3A_455 : memref<64x128xf32, #tpu.memory_space<hbm>>) target_semaphore(%arg10 : memref<!tpu.dma_semaphore, #tpu.memory_space<semaphore_mem>>)
      %add3A_460 = arith.constant 3 : i32
      %add3A_461 = arith.addi %add3A_386, %add3A_460 : i32
      %lt3A_462 = arith.constant 8 : i32
      %lt3A_463 = arith.cmpi slt, %add3A_461, %lt3A_462 : i32
      %convert_element_type3A_464 = arith.extui %lt3A_463 : i1 to i32
      %cond3A_465 = arith.constant 0 : i32
      %cond3A_466 = arith.cmpi ne, %convert_element_type3A_464, %cond3A_465 : i32
      scf.if %cond3A_466 {
        %ge3A = arith.constant 1 : i32
        %ge3A_550 = arith.cmpi sge, %add3A_386, %ge3A : i32
        %convert_element_type3A_551 = arith.extui %ge3A_550 : i1 to i32
        %cond3A_552 = arith.constant 0 : i32
        %cond3A_553 = arith.cmpi ne, %convert_element_type3A_551, %cond3A_552 : i32
        scf.if %cond3A_553 {
          %dma_wait3A_582 = arith.constant 1 : i32
          %dma_wait3A_583 = arith.constant 0 : i32
          %dma_wait3A_584 = arith.constant 0 : i32
          %dma_wait3A_585 = tpu.memref_slice %arg8[%dma_wait3A_582, %dma_wait3A_583, %dma_wait3A_584] : memref<4x128x128xf32, #tpu.memory_space<vmem>> -> memref<1x64x128xf32, #tpu.memory_space<vmem>>
          %dma_wait3A_586 = tpu.memref_squeeze %dma_wait3A_585 : memref<1x64x128xf32, #tpu.memory_space<vmem>> -> memref<64x128xf32, #tpu.memory_space<vmem>>
          %dma_wait3A_587 = arith.constant 0 : i32
          %dma_wait3A_588 = arith.constant 0 : i32
          %dma_wait3A_589 = tpu.memref_slice %arg5[%dma_wait3A_587, %dma_wait3A_588] : memref<32768x128xf32, #tpu.memory_space<hbm>> -> memref<64x128xf32, #tpu.memory_space<hbm>>
          %dma_wait3A_590 = arith.constant 0 : i32
          %dma_wait3A_591 = arith.constant 0 : i32
          %dma_wait3A_592 = tpu.memref_slice %arg5[%dma_wait3A_590, %dma_wait3A_591] : memref<32768x128xf32, #tpu.memory_space<hbm>> -> memref<64x128xf32, #tpu.memory_space<hbm>>
          %dma_wait3A_593 = arith.constant 0 : i32
          %dma_wait3A_594 = arith.constant 0 : i32
          %dma_wait3A_595 = tpu.memref_slice %arg8[%dma_wait3A_582, %dma_wait3A_593, %dma_wait3A_594] : memref<4x128x128xf32, #tpu.memory_space<vmem>> -> memref<1x64x128xf32, #tpu.memory_space<vmem>>
          %dma_wait3A_596 = tpu.memref_squeeze %dma_wait3A_595 : memref<1x64x128xf32, #tpu.memory_space<vmem>> -> memref<64x128xf32, #tpu.memory_space<vmem>>
          tpu.wait_dma2 semaphore(%arg10 : memref<!tpu.dma_semaphore, #tpu.memory_space<semaphore_mem>>) src(%dma_wait3A_596 : memref<64x128xf32, #tpu.memory_space<vmem>>) dst(%dma_wait3A_592 : memref<64x128xf32, #tpu.memory_space<hbm>>)
          %dma_wait3A_597 = arith.constant 1 : i32
          %dma_wait3A_598 = arith.constant 64 : i32
          %dma_wait3A_599 = arith.constant 0 : i32
          %dma_wait3A_600 = tpu.memref_slice %arg8[%dma_wait3A_597, %dma_wait3A_598, %dma_wait3A_599] : memref<4x128x128xf32, #tpu.memory_space<vmem>> -> memref<1x64x128xf32, #tpu.memory_space<vmem>>
          %dma_wait3A_601 = tpu.memref_squeeze %dma_wait3A_600 : memref<1x64x128xf32, #tpu.memory_space<vmem>> -> memref<64x128xf32, #tpu.memory_space<vmem>>
          %dma_wait3A_602 = arith.constant 0 : i32
          %dma_wait3A_603 = arith.constant 0 : i32
          %dma_wait3A_604 = tpu.memref_slice %arg5[%dma_wait3A_602, %dma_wait3A_603] : memref<32768x128xf32, #tpu.memory_space<hbm>> -> memref<64x128xf32, #tpu.memory_space<hbm>>
          %dma_wait3A_605 = arith.constant 0 : i32
          %dma_wait3A_606 = arith.constant 0 : i32
          %dma_wait3A_607 = tpu.memref_slice %arg5[%dma_wait3A_605, %dma_wait3A_606] : memref<32768x128xf32, #tpu.memory_space<hbm>> -> memref<64x128xf32, #tpu.memory_space<hbm>>
          %dma_wait3A_608 = arith.constant 64 : i32
          %dma_wait3A_609 = arith.constant 0 : i32
          %dma_wait3A_610 = tpu.memref_slice %arg8[%dma_wait3A_597, %dma_wait3A_608, %dma_wait3A_609] : memref<4x128x128xf32, #tpu.memory_space<vmem>> -> memref<1x64x128xf32, #tpu.memory_space<vmem>>
          %dma_wait3A_611 = tpu.memref_squeeze %dma_wait3A_610 : memref<1x64x128xf32, #tpu.memory_space<vmem>> -> memref<64x128xf32, #tpu.memory_space<vmem>>
          tpu.wait_dma2 semaphore(%arg10 : memref<!tpu.dma_semaphore, #tpu.memory_space<semaphore_mem>>) src(%dma_wait3A_611 : memref<64x128xf32, #tpu.memory_space<vmem>>) dst(%dma_wait3A_607 : memref<64x128xf32, #tpu.memory_space<hbm>>)
        } else {
        }
        %mul3A_554 = arith.constant 2 : i32
        %mul3A_555 = arith.muli %add3A_461, %mul3A_554 : i32
        %add3A_556 = arith.constant 0 : i32
        %add3A_557 = arith.addi %mul3A_555, %add3A_556 : i32
        %dma_start3A_558 = arith.constant 1 : i32
        %dma_start3A_559 = arith.constant 0 : i32
        %dma_start3A_560 = arith.constant 0 : i32
        %dma_start3A_561 = tpu.memref_slice %arg8[%dma_start3A_558, %dma_start3A_559, %dma_start3A_560] : memref<4x128x128xf32, #tpu.memory_space<vmem>> -> memref<1x64x128xf32, #tpu.memory_space<vmem>>
        %dma_start3A_562 = tpu.memref_squeeze %dma_start3A_561 : memref<1x64x128xf32, #tpu.memory_space<vmem>> -> memref<64x128xf32, #tpu.memory_space<vmem>>
        %dma_start3A_563 = tpu.memref_slice %arg6[%add3A_557, %rem3A_22] : memref<16x128xi32, #tpu.memory_space<vmem>> -> memref<1x64xi32, #tpu.memory_space<vmem>>
        %dma_start3A_564 = tpu.memref_squeeze %dma_start3A_563 : memref<1x64xi32, #tpu.memory_space<vmem>> -> memref<64xi32, #tpu.memory_space<vmem>>
        %dma_start3A_565 = arith.constant 0 : i32
        %dma_start3A_566 = arith.constant 0 : i32
        %dma_start3A_567 = tpu.memref_slice %arg3[%dma_start3A_565, %dma_start3A_566] : memref<100000x128xf32, #tpu.memory_space<hbm>> -> memref<100000x128xf32, #tpu.memory_space<hbm>>
        tpu.enqueue_indirect_dma source(%dma_start3A_567 : memref<100000x128xf32, #tpu.memory_space<hbm>>) target(%dma_start3A_562 : memref<64x128xf32, #tpu.memory_space<vmem>>) offsets(%dma_start3A_564 : memref<64xi32, #tpu.memory_space<vmem>>) semaphore(%arg9 : memref<!tpu.dma_semaphore, #tpu.memory_space<semaphore_mem>>)
        %mul3A_568 = arith.constant 2 : i32
        %mul3A_569 = arith.muli %add3A_461, %mul3A_568 : i32
        %add3A_570 = arith.constant 1 : i32
        %add3A_571 = arith.addi %mul3A_569, %add3A_570 : i32
        %dma_start3A_572 = arith.constant 1 : i32
        %dma_start3A_573 = arith.constant 64 : i32
        %dma_start3A_574 = arith.constant 0 : i32
        %dma_start3A_575 = tpu.memref_slice %arg8[%dma_start3A_572, %dma_start3A_573, %dma_start3A_574] : memref<4x128x128xf32, #tpu.memory_space<vmem>> -> memref<1x64x128xf32, #tpu.memory_space<vmem>>
        %dma_start3A_576 = tpu.memref_squeeze %dma_start3A_575 : memref<1x64x128xf32, #tpu.memory_space<vmem>> -> memref<64x128xf32, #tpu.memory_space<vmem>>
        %dma_start3A_577 = tpu.memref_slice %arg6[%add3A_571, %rem3A_22] : memref<16x128xi32, #tpu.memory_space<vmem>> -> memref<1x64xi32, #tpu.memory_space<vmem>>
        %dma_start3A_578 = tpu.memref_squeeze %dma_start3A_577 : memref<1x64xi32, #tpu.memory_space<vmem>> -> memref<64xi32, #tpu.memory_space<vmem>>
        %dma_start3A_579 = arith.constant 0 : i32
        %dma_start3A_580 = arith.constant 0 : i32
        %dma_start3A_581 = tpu.memref_slice %arg3[%dma_start3A_579, %dma_start3A_580] : memref<100000x128xf32, #tpu.memory_space<hbm>> -> memref<100000x128xf32, #tpu.memory_space<hbm>>
        tpu.enqueue_indirect_dma source(%dma_start3A_581 : memref<100000x128xf32, #tpu.memory_space<hbm>>) target(%dma_start3A_576 : memref<64x128xf32, #tpu.memory_space<vmem>>) offsets(%dma_start3A_578 : memref<64xi32, #tpu.memory_space<vmem>>) semaphore(%arg9 : memref<!tpu.dma_semaphore, #tpu.memory_space<semaphore_mem>>)
      } else {
      }
      %add3A_467 = arith.constant 3 : i32
      %add3A_468 = arith.addi %mul3A_224, %add3A_467 : i32
      %dma_wait3A_469 = arith.constant 3 : i32
      %dma_wait3A_470 = arith.constant 0 : i32
      %dma_wait3A_471 = arith.constant 0 : i32
      %dma_wait3A_472 = tpu.memref_slice %arg8[%dma_wait3A_469, %dma_wait3A_470, %dma_wait3A_471] : memref<4x128x128xf32, #tpu.memory_space<vmem>> -> memref<1x64x128xf32, #tpu.memory_space<vmem>>
      %dma_wait3A_473 = tpu.memref_squeeze %dma_wait3A_472 : memref<1x64x128xf32, #tpu.memory_space<vmem>> -> memref<64x128xf32, #tpu.memory_space<vmem>>
      %dma_wait3A_474 = arith.constant 0 : i32
      %dma_wait3A_475 = arith.constant 0 : i32
      %dma_wait3A_476 = tpu.memref_slice %arg3[%dma_wait3A_474, %dma_wait3A_475] : memref<100000x128xf32, #tpu.memory_space<hbm>> -> memref<64x128xf32, #tpu.memory_space<hbm>>
      %dma_wait3A_477 = arith.constant 0 : i32
      %dma_wait3A_478 = arith.constant 0 : i32
      %dma_wait3A_479 = tpu.memref_slice %arg8[%dma_wait3A_469, %dma_wait3A_477, %dma_wait3A_478] : memref<4x128x128xf32, #tpu.memory_space<vmem>> -> memref<1x64x128xf32, #tpu.memory_space<vmem>>
      %dma_wait3A_480 = tpu.memref_squeeze %dma_wait3A_479 : memref<1x64x128xf32, #tpu.memory_space<vmem>> -> memref<64x128xf32, #tpu.memory_space<vmem>>
      %dma_wait3A_481 = arith.constant 0 : i32
      %dma_wait3A_482 = arith.constant 0 : i32
      %dma_wait3A_483 = tpu.memref_slice %arg3[%dma_wait3A_481, %dma_wait3A_482] : memref<100000x128xf32, #tpu.memory_space<hbm>> -> memref<64x128xf32, #tpu.memory_space<hbm>>
      tpu.wait_dma2 semaphore(%arg9 : memref<!tpu.dma_semaphore, #tpu.memory_space<semaphore_mem>>) src(%dma_wait3A_483 : memref<64x128xf32, #tpu.memory_space<hbm>>) dst(%dma_wait3A_480 : memref<64x128xf32, #tpu.memory_space<vmem>>)
      %dma_wait3A_484 = arith.constant 3 : i32
      %dma_wait3A_485 = arith.constant 64 : i32
      %dma_wait3A_486 = arith.constant 0 : i32
      %dma_wait3A_487 = tpu.memref_slice %arg8[%dma_wait3A_484, %dma_wait3A_485, %dma_wait3A_486] : memref<4x128x128xf32, #tpu.memory_space<vmem>> -> memref<1x64x128xf32, #tpu.memory_space<vmem>>
      %dma_wait3A_488 = tpu.memref_squeeze %dma_wait3A_487 : memref<1x64x128xf32, #tpu.memory_space<vmem>> -> memref<64x128xf32, #tpu.memory_space<vmem>>
      %dma_wait3A_489 = arith.constant 0 : i32
      %dma_wait3A_490 = arith.constant 0 : i32
      %dma_wait3A_491 = tpu.memref_slice %arg3[%dma_wait3A_489, %dma_wait3A_490] : memref<100000x128xf32, #tpu.memory_space<hbm>> -> memref<64x128xf32, #tpu.memory_space<hbm>>
      %dma_wait3A_492 = arith.constant 64 : i32
      %dma_wait3A_493 = arith.constant 0 : i32
      %dma_wait3A_494 = tpu.memref_slice %arg8[%dma_wait3A_484, %dma_wait3A_492, %dma_wait3A_493] : memref<4x128x128xf32, #tpu.memory_space<vmem>> -> memref<1x64x128xf32, #tpu.memory_space<vmem>>
      %dma_wait3A_495 = tpu.memref_squeeze %dma_wait3A_494 : memref<1x64x128xf32, #tpu.memory_space<vmem>> -> memref<64x128xf32, #tpu.memory_space<vmem>>
      %dma_wait3A_496 = arith.constant 0 : i32
      %dma_wait3A_497 = arith.constant 0 : i32
      %dma_wait3A_498 = tpu.memref_slice %arg3[%dma_wait3A_496, %dma_wait3A_497] : memref<100000x128xf32, #tpu.memory_space<hbm>> -> memref<64x128xf32, #tpu.memory_space<hbm>>
      tpu.wait_dma2 semaphore(%arg9 : memref<!tpu.dma_semaphore, #tpu.memory_space<semaphore_mem>>) src(%dma_wait3A_498 : memref<64x128xf32, #tpu.memory_space<hbm>>) dst(%dma_wait3A_495 : memref<64x128xf32, #tpu.memory_space<vmem>>)
      %parallel_loop3A_499 = arith.constant 0 : i32
      %parallel_loop3A_500 = arith.constant 128 : i32
      %parallel_loop3A_501 = arith.constant 1 : i32
      scf.for %parallel_loop3A_550 = %parallel_loop3A_499 to %parallel_loop3A_500 step %parallel_loop3A_501  : i32 {
        %parallel_loop3A_551 = arith.constant 64 : i32
        %parallel_loop3A_552 = arith.remsi %parallel_loop3A_550, %parallel_loop3A_551 : i32
        %parallel_loop3A_553 = arith.index_cast %parallel_loop3A_552 : i32 to index
        %parallel_loop3A_554 = arith.constant 0 : index
        %parallel_loop3A_555 = tpu.vector_load %arg7[%parallel_loop3A_553, %parallel_loop3A_554] {strides = array<i32>} : memref<64x128xf32, #tpu.memory_space<vmem>>, vector<1x16xf32>,
        %parallel_loop3A_556 = vector.shape_cast %parallel_loop3A_555 : vector<1x16xf32> to vector<16xf32>
        %parallel_loop3A_557 = arith.constant 3 : i32
        %parallel_loop3A_558 = arith.index_cast %parallel_loop3A_557 : i32 to index
        %parallel_loop3A_559 = arith.index_cast %parallel_loop3A_550 : i32 to index
        %parallel_loop3A_560 = arith.constant 0 : index
        %parallel_loop3A_561 = tpu.vector_load %arg8[%parallel_loop3A_558, %parallel_loop3A_559, %parallel_loop3A_560] {strides = array<i32>} : memref<4x128x128xf32, #tpu.memory_space<vmem>>, vector<1x1x16xf32>,
        %parallel_loop3A_562 = vector.shape_cast %parallel_loop3A_561 : vector<1x1x16xf32> to vector<16xf32>
        %parallel_loop3A_563 = vector.shape_cast %parallel_loop3A_556 : vector<16xf32> to vector<1x1x16xf32>
        tpu.vector_store %arg8[%parallel_loop3A_558, %parallel_loop3A_559, %parallel_loop3A_560], %parallel_loop3A_563 {add = true, strides = array<i32>} : memref<4x128x128xf32, #tpu.memory_space<vmem>>, vector<1x1x16xf32>,
        %parallel_loop3A_564 = arith.index_cast %parallel_loop3A_552 : i32 to index
        %parallel_loop3A_565 = arith.constant 16 : index
        %parallel_loop3A_566 = tpu.vector_load %arg7[%parallel_loop3A_564, %parallel_loop3A_565] {strides = array<i32>} : memref<64x128xf32, #tpu.memory_space<vmem>>, vector<1x16xf32>,
        %parallel_loop3A_567 = vector.shape_cast %parallel_loop3A_566 : vector<1x16xf32> to vector<16xf32>
        %parallel_loop3A_568 = arith.constant 3 : i32
        %parallel_loop3A_569 = arith.index_cast %parallel_loop3A_568 : i32 to index
        %parallel_loop3A_570 = arith.index_cast %parallel_loop3A_550 : i32 to index
        %parallel_loop3A_571 = arith.constant 16 : index
        %parallel_loop3A_572 = tpu.vector_load %arg8[%parallel_loop3A_569, %parallel_loop3A_570, %parallel_loop3A_571] {strides = array<i32>} : memref<4x128x128xf32, #tpu.memory_space<vmem>>, vector<1x1x16xf32>,
        %parallel_loop3A_573 = vector.shape_cast %parallel_loop3A_572 : vector<1x1x16xf32> to vector<16xf32>
        %parallel_loop3A_574 = vector.shape_cast %parallel_loop3A_567 : vector<16xf32> to vector<1x1x16xf32>
        tpu.vector_store %arg8[%parallel_loop3A_569, %parallel_loop3A_570, %parallel_loop3A_571], %parallel_loop3A_574 {add = true, strides = array<i32>} : memref<4x128x128xf32, #tpu.memory_space<vmem>>, vector<1x1x16xf32>,
        %parallel_loop3A_575 = arith.index_cast %parallel_loop3A_552 : i32 to index
        %parallel_loop3A_576 = arith.constant 32 : index
        %parallel_loop3A_577 = tpu.vector_load %arg7[%parallel_loop3A_575, %parallel_loop3A_576] {strides = array<i32>} : memref<64x128xf32, #tpu.memory_space<vmem>>, vector<1x16xf32>,
        %parallel_loop3A_578 = vector.shape_cast %parallel_loop3A_577 : vector<1x16xf32> to vector<16xf32>
        %parallel_loop3A_579 = arith.constant 3 : i32
        %parallel_loop3A_580 = arith.index_cast %parallel_loop3A_579 : i32 to index
        %parallel_loop3A_581 = arith.index_cast %parallel_loop3A_550 : i32 to index
        %parallel_loop3A_582 = arith.constant 32 : index
        %parallel_loop3A_583 = tpu.vector_load %arg8[%parallel_loop3A_580, %parallel_loop3A_581, %parallel_loop3A_582] {strides = array<i32>} : memref<4x128x128xf32, #tpu.memory_space<vmem>>, vector<1x1x16xf32>,
        %parallel_loop3A_584 = vector.shape_cast %parallel_loop3A_583 : vector<1x1x16xf32> to vector<16xf32>
        %parallel_loop3A_585 = vector.shape_cast %parallel_loop3A_578 : vector<16xf32> to vector<1x1x16xf32>
        tpu.vector_store %arg8[%parallel_loop3A_580, %parallel_loop3A_581, %parallel_loop3A_582], %parallel_loop3A_585 {add = true, strides = array<i32>} : memref<4x128x128xf32, #tpu.memory_space<vmem>>, vector<1x1x16xf32>,
        %parallel_loop3A_586 = arith.index_cast %parallel_loop3A_552 : i32 to index
        %parallel_loop3A_587 = arith.constant 48 : index
        %parallel_loop3A_588 = tpu.vector_load %arg7[%parallel_loop3A_586, %parallel_loop3A_587] {strides = array<i32>} : memref<64x128xf32, #tpu.memory_space<vmem>>, vector<1x16xf32>,
        %parallel_loop3A_589 = vector.shape_cast %parallel_loop3A_588 : vector<1x16xf32> to vector<16xf32>
        %parallel_loop3A_590 = arith.constant 3 : i32
        %parallel_loop3A_591 = arith.index_cast %parallel_loop3A_590 : i32 to index
        %parallel_loop3A_592 = arith.index_cast %parallel_loop3A_550 : i32 to index
        %parallel_loop3A_593 = arith.constant 48 : index
        %parallel_loop3A_594 = tpu.vector_load %arg8[%parallel_loop3A_591, %parallel_loop3A_592, %parallel_loop3A_593] {strides = array<i32>} : memref<4x128x128xf32, #tpu.memory_space<vmem>>, vector<1x1x16xf32>,
        %parallel_loop3A_595 = vector.shape_cast %parallel_loop3A_594 : vector<1x1x16xf32> to vector<16xf32>
        %parallel_loop3A_596 = vector.shape_cast %parallel_loop3A_589 : vector<16xf32> to vector<1x1x16xf32>
        tpu.vector_store %arg8[%parallel_loop3A_591, %parallel_loop3A_592, %parallel_loop3A_593], %parallel_loop3A_596 {add = true, strides = array<i32>} : memref<4x128x128xf32, #tpu.memory_space<vmem>>, vector<1x1x16xf32>,
        %parallel_loop3A_597 = arith.index_cast %parallel_loop3A_552 : i32 to index
        %parallel_loop3A_598 = arith.constant 64 : index
        %parallel_loop3A_599 = tpu.vector_load %arg7[%parallel_loop3A_597, %parallel_loop3A_598] {strides = array<i32>} : memref<64x128xf32, #tpu.memory_space<vmem>>, vector<1x16xf32>,
        %parallel_loop3A_600 = vector.shape_cast %parallel_loop3A_599 : vector<1x16xf32> to vector<16xf32>
        %parallel_loop3A_601 = arith.constant 3 : i32
        %parallel_loop3A_602 = arith.index_cast %parallel_loop3A_601 : i32 to index
        %parallel_loop3A_603 = arith.index_cast %parallel_loop3A_550 : i32 to index
        %parallel_loop3A_604 = arith.constant 64 : index
        %parallel_loop3A_605 = tpu.vector_load %arg8[%parallel_loop3A_602, %parallel_loop3A_603, %parallel_loop3A_604] {strides = array<i32>} : memref<4x128x128xf32, #tpu.memory_space<vmem>>, vector<1x1x16xf32>,
        %parallel_loop3A_606 = vector.shape_cast %parallel_loop3A_605 : vector<1x1x16xf32> to vector<16xf32>
        %parallel_loop3A_607 = vector.shape_cast %parallel_loop3A_600 : vector<16xf32> to vector<1x1x16xf32>
        tpu.vector_store %arg8[%parallel_loop3A_602, %parallel_loop3A_603, %parallel_loop3A_604], %parallel_loop3A_607 {add = true, strides = array<i32>} : memref<4x128x128xf32, #tpu.memory_space<vmem>>, vector<1x1x16xf32>,
        %parallel_loop3A_608 = arith.index_cast %parallel_loop3A_552 : i32 to index
        %parallel_loop3A_609 = arith.constant 80 : index
        %parallel_loop3A_610 = tpu.vector_load %arg7[%parallel_loop3A_608, %parallel_loop3A_609] {strides = array<i32>} : memref<64x128xf32, #tpu.memory_space<vmem>>, vector<1x16xf32>,
        %parallel_loop3A_611 = vector.shape_cast %parallel_loop3A_610 : vector<1x16xf32> to vector<16xf32>
        %parallel_loop3A_612 = arith.constant 3 : i32
        %parallel_loop3A_613 = arith.index_cast %parallel_loop3A_612 : i32 to index
        %parallel_loop3A_614 = arith.index_cast %parallel_loop3A_550 : i32 to index
        %parallel_loop3A_615 = arith.constant 80 : index
        %parallel_loop3A_616 = tpu.vector_load %arg8[%parallel_loop3A_613, %parallel_loop3A_614, %parallel_loop3A_615] {strides = array<i32>} : memref<4x128x128xf32, #tpu.memory_space<vmem>>, vector<1x1x16xf32>,
        %parallel_loop3A_617 = vector.shape_cast %parallel_loop3A_616 : vector<1x1x16xf32> to vector<16xf32>
        %parallel_loop3A_618 = vector.shape_cast %parallel_loop3A_611 : vector<16xf32> to vector<1x1x16xf32>
        tpu.vector_store %arg8[%parallel_loop3A_613, %parallel_loop3A_614, %parallel_loop3A_615], %parallel_loop3A_618 {add = true, strides = array<i32>} : memref<4x128x128xf32, #tpu.memory_space<vmem>>, vector<1x1x16xf32>,
        %parallel_loop3A_619 = arith.index_cast %parallel_loop3A_552 : i32 to index
        %parallel_loop3A_620 = arith.constant 96 : index
        %parallel_loop3A_621 = tpu.vector_load %arg7[%parallel_loop3A_619, %parallel_loop3A_620] {strides = array<i32>} : memref<64x128xf32, #tpu.memory_space<vmem>>, vector<1x16xf32>,
        %parallel_loop3A_622 = vector.shape_cast %parallel_loop3A_621 : vector<1x16xf32> to vector<16xf32>
        %parallel_loop3A_623 = arith.constant 3 : i32
        %parallel_loop3A_624 = arith.index_cast %parallel_loop3A_623 : i32 to index
        %parallel_loop3A_625 = arith.index_cast %parallel_loop3A_550 : i32 to index
        %parallel_loop3A_626 = arith.constant 96 : index
        %parallel_loop3A_627 = tpu.vector_load %arg8[%parallel_loop3A_624, %parallel_loop3A_625, %parallel_loop3A_626] {strides = array<i32>} : memref<4x128x128xf32, #tpu.memory_space<vmem>>, vector<1x1x16xf32>,
        %parallel_loop3A_628 = vector.shape_cast %parallel_loop3A_627 : vector<1x1x16xf32> to vector<16xf32>
        %parallel_loop3A_629 = vector.shape_cast %parallel_loop3A_622 : vector<16xf32> to vector<1x1x16xf32>
        tpu.vector_store %arg8[%parallel_loop3A_624, %parallel_loop3A_625, %parallel_loop3A_626], %parallel_loop3A_629 {add = true, strides = array<i32>} : memref<4x128x128xf32, #tpu.memory_space<vmem>>, vector<1x1x16xf32>,
        %parallel_loop3A_630 = arith.index_cast %parallel_loop3A_552 : i32 to index
        %parallel_loop3A_631 = arith.constant 112 : index
        %parallel_loop3A_632 = tpu.vector_load %arg7[%parallel_loop3A_630, %parallel_loop3A_631] {strides = array<i32>} : memref<64x128xf32, #tpu.memory_space<vmem>>, vector<1x16xf32>,
        %parallel_loop3A_633 = vector.shape_cast %parallel_loop3A_632 : vector<1x16xf32> to vector<16xf32>
        %parallel_loop3A_634 = arith.constant 3 : i32
        %parallel_loop3A_635 = arith.index_cast %parallel_loop3A_634 : i32 to index
        %parallel_loop3A_636 = arith.index_cast %parallel_loop3A_550 : i32 to index
        %parallel_loop3A_637 = arith.constant 112 : index
        %parallel_loop3A_638 = tpu.vector_load %arg8[%parallel_loop3A_635, %parallel_loop3A_636, %parallel_loop3A_637] {strides = array<i32>} : memref<4x128x128xf32, #tpu.memory_space<vmem>>, vector<1x1x16xf32>,
        %parallel_loop3A_639 = vector.shape_cast %parallel_loop3A_638 : vector<1x1x16xf32> to vector<16xf32>
        %parallel_loop3A_640 = vector.shape_cast %parallel_loop3A_633 : vector<16xf32> to vector<1x1x16xf32>
        tpu.vector_store %arg8[%parallel_loop3A_635, %parallel_loop3A_636, %parallel_loop3A_637], %parallel_loop3A_640 {add = true, strides = array<i32>} : memref<4x128x128xf32, #tpu.memory_space<vmem>>, vector<1x1x16xf32>,
      } {sc.loop_unroll_factor = 4 : i64, sc.parallel_access}
      %mul3A_502 = arith.constant 2 : i32
      %mul3A_503 = arith.muli %add3A_468, %mul3A_502 : i32
      %add3A_504 = arith.constant 0 : i32
      %add3A_505 = arith.addi %mul3A_503, %add3A_504 : i32
      %mul3A_506 = arith.constant 2048 : i32
      %mul3A_507 = arith.muli %add3A_505, %mul3A_506 : i32
      %add3A_508 = arith.addi %mul3A_507, %mul3A_2 : i32
      %dma_start3A_509 = arith.constant 3 : i32
      %dma_start3A_510 = arith.constant 0 : i32
      %dma_start3A_511 = arith.constant 0 : i32
      %dma_start3A_512 = tpu.memref_slice %arg8[%dma_start3A_509, %dma_start3A_510, %dma_start3A_511] : memref<4x128x128xf32, #tpu.memory_space<vmem>> -> memref<1x64x128xf32, #tpu.memory_space<vmem>>
      %dma_start3A_513 = tpu.memref_squeeze %dma_start3A_512 : memref<1x64x128xf32, #tpu.memory_space<vmem>> -> memref<64x128xf32, #tpu.memory_space<vmem>>
      %dma_start3A_514 = arith.constant 0 : i32
      %dma_start3A_515 = tpu.memref_slice %arg5[%add3A_508, %dma_start3A_514] : memref<32768x128xf32, #tpu.memory_space<hbm>> -> memref<64x128xf32, #tpu.memory_space<hbm>>
      %dma_start3A_516 = arith.constant 0 : i32
      %dma_start3A_517 = tpu.memref_slice %arg5[%add3A_508, %dma_start3A_516] : memref<32768x128xf32, #tpu.memory_space<hbm>> -> memref<64x128xf32, #tpu.memory_space<hbm>>
      %dma_start3A_518 = arith.constant 0 : i32
      %dma_start3A_519 = arith.constant 0 : i32
      %dma_start3A_520 = tpu.memref_slice %arg8[%dma_start3A_509, %dma_start3A_518, %dma_start3A_519] : memref<4x128x128xf32, #tpu.memory_space<vmem>> -> memref<1x64x128xf32, #tpu.memory_space<vmem>>
      %dma_start3A_521 = tpu.memref_squeeze %dma_start3A_520 : memref<1x64x128xf32, #tpu.memory_space<vmem>> -> memref<64x128xf32, #tpu.memory_space<vmem>>
      tpu.enqueue_dma source(%dma_start3A_521 : memref<64x128xf32, #tpu.memory_space<vmem>>) target(%dma_start3A_517 : memref<64x128xf32, #tpu.memory_space<hbm>>) target_semaphore(%arg10 : memref<!tpu.dma_semaphore, #tpu.memory_space<semaphore_mem>>)
      %mul3A_522 = arith.constant 2 : i32
      %mul3A_523 = arith.muli %add3A_468, %mul3A_522 : i32
      %add3A_524 = arith.constant 1 : i32
      %add3A_525 = arith.addi %mul3A_523, %add3A_524 : i32
      %mul3A_526 = arith.constant 2048 : i32
      %mul3A_527 = arith.muli %add3A_525, %mul3A_526 : i32
      %add3A_528 = arith.addi %mul3A_527, %mul3A_2 : i32
      %dma_start3A_529 = arith.constant 3 : i32
      %dma_start3A_530 = arith.constant 64 : i32
      %dma_start3A_531 = arith.constant 0 : i32
      %dma_start3A_532 = tpu.memref_slice %arg8[%dma_start3A_529, %dma_start3A_530, %dma_start3A_531] : memref<4x128x128xf32, #tpu.memory_space<vmem>> -> memref<1x64x128xf32, #tpu.memory_space<vmem>>
      %dma_start3A_533 = tpu.memref_squeeze %dma_start3A_532 : memref<1x64x128xf32, #tpu.memory_space<vmem>> -> memref<64x128xf32, #tpu.memory_space<vmem>>
      %dma_start3A_534 = arith.constant 0 : i32
      %dma_start3A_535 = tpu.memref_slice %arg5[%add3A_528, %dma_start3A_534] : memref<32768x128xf32, #tpu.memory_space<hbm>> -> memref<64x128xf32, #tpu.memory_space<hbm>>
      %dma_start3A_536 = arith.constant 0 : i32
      %dma_start3A_537 = tpu.memref_slice %arg5[%add3A_528, %dma_start3A_536] : memref<32768x128xf32, #tpu.memory_space<hbm>> -> memref<64x128xf32, #tpu.memory_space<hbm>>
      %dma_start3A_538 = arith.constant 64 : i32
      %dma_start3A_539 = arith.constant 0 : i32
      %dma_start3A_540 = tpu.memref_slice %arg8[%dma_start3A_529, %dma_start3A_538, %dma_start3A_539] : memref<4x128x128xf32, #tpu.memory_space<vmem>> -> memref<1x64x128xf32, #tpu.memory_space<vmem>>
      %dma_start3A_541 = tpu.memref_squeeze %dma_start3A_540 : memref<1x64x128xf32, #tpu.memory_space<vmem>> -> memref<64x128xf32, #tpu.memory_space<vmem>>
      tpu.enqueue_dma source(%dma_start3A_541 : memref<64x128xf32, #tpu.memory_space<vmem>>) target(%dma_start3A_537 : memref<64x128xf32, #tpu.memory_space<hbm>>) target_semaphore(%arg10 : memref<!tpu.dma_semaphore, #tpu.memory_space<semaphore_mem>>)
      %add3A_542 = arith.constant 3 : i32
      %add3A_543 = arith.addi %add3A_468, %add3A_542 : i32
      %lt3A_544 = arith.constant 8 : i32
      %lt3A_545 = arith.cmpi slt, %add3A_543, %lt3A_544 : i32
      %convert_element_type3A_546 = arith.extui %lt3A_545 : i1 to i32
      %cond3A_547 = arith.constant 0 : i32
      %cond3A_548 = arith.cmpi ne, %convert_element_type3A_546, %cond3A_547 : i32
      scf.if %cond3A_548 {
        %ge3A = arith.constant 1 : i32
        %ge3A_550 = arith.cmpi sge, %add3A_468, %ge3A : i32
        %convert_element_type3A_551 = arith.extui %ge3A_550 : i1 to i32
        %cond3A_552 = arith.constant 0 : i32
        %cond3A_553 = arith.cmpi ne, %convert_element_type3A_551, %cond3A_552 : i32
        scf.if %cond3A_553 {
          %dma_wait3A_582 = arith.constant 2 : i32
          %dma_wait3A_583 = arith.constant 0 : i32
          %dma_wait3A_584 = arith.constant 0 : i32
          %dma_wait3A_585 = tpu.memref_slice %arg8[%dma_wait3A_582, %dma_wait3A_583, %dma_wait3A_584] : memref<4x128x128xf32, #tpu.memory_space<vmem>> -> memref<1x64x128xf32, #tpu.memory_space<vmem>>
          %dma_wait3A_586 = tpu.memref_squeeze %dma_wait3A_585 : memref<1x64x128xf32, #tpu.memory_space<vmem>> -> memref<64x128xf32, #tpu.memory_space<vmem>>
          %dma_wait3A_587 = arith.constant 0 : i32
          %dma_wait3A_588 = arith.constant 0 : i32
          %dma_wait3A_589 = tpu.memref_slice %arg5[%dma_wait3A_587, %dma_wait3A_588] : memref<32768x128xf32, #tpu.memory_space<hbm>> -> memref<64x128xf32, #tpu.memory_space<hbm>>
          %dma_wait3A_590 = arith.constant 0 : i32
          %dma_wait3A_591 = arith.constant 0 : i32
          %dma_wait3A_592 = tpu.memref_slice %arg5[%dma_wait3A_590, %dma_wait3A_591] : memref<32768x128xf32, #tpu.memory_space<hbm>> -> memref<64x128xf32, #tpu.memory_space<hbm>>
          %dma_wait3A_593 = arith.constant 0 : i32
          %dma_wait3A_594 = arith.constant 0 : i32
          %dma_wait3A_595 = tpu.memref_slice %arg8[%dma_wait3A_582, %dma_wait3A_593, %dma_wait3A_594] : memref<4x128x128xf32, #tpu.memory_space<vmem>> -> memref<1x64x128xf32, #tpu.memory_space<vmem>>
          %dma_wait3A_596 = tpu.memref_squeeze %dma_wait3A_595 : memref<1x64x128xf32, #tpu.memory_space<vmem>> -> memref<64x128xf32, #tpu.memory_space<vmem>>
          tpu.wait_dma2 semaphore(%arg10 : memref<!tpu.dma_semaphore, #tpu.memory_space<semaphore_mem>>) src(%dma_wait3A_596 : memref<64x128xf32, #tpu.memory_space<vmem>>) dst(%dma_wait3A_592 : memref<64x128xf32, #tpu.memory_space<hbm>>)
          %dma_wait3A_597 = arith.constant 2 : i32
          %dma_wait3A_598 = arith.constant 64 : i32
          %dma_wait3A_599 = arith.constant 0 : i32
          %dma_wait3A_600 = tpu.memref_slice %arg8[%dma_wait3A_597, %dma_wait3A_598, %dma_wait3A_599] : memref<4x128x128xf32, #tpu.memory_space<vmem>> -> memref<1x64x128xf32, #tpu.memory_space<vmem>>
          %dma_wait3A_601 = tpu.memref_squeeze %dma_wait3A_600 : memref<1x64x128xf32, #tpu.memory_space<vmem>> -> memref<64x128xf32, #tpu.memory_space<vmem>>
          %dma_wait3A_602 = arith.constant 0 : i32
          %dma_wait3A_603 = arith.constant 0 : i32
          %dma_wait3A_604 = tpu.memref_slice %arg5[%dma_wait3A_602, %dma_wait3A_603] : memref<32768x128xf32, #tpu.memory_space<hbm>> -> memref<64x128xf32, #tpu.memory_space<hbm>>
          %dma_wait3A_605 = arith.constant 0 : i32
          %dma_wait3A_606 = arith.constant 0 : i32
          %dma_wait3A_607 = tpu.memref_slice %arg5[%dma_wait3A_605, %dma_wait3A_606] : memref<32768x128xf32, #tpu.memory_space<hbm>> -> memref<64x128xf32, #tpu.memory_space<hbm>>
          %dma_wait3A_608 = arith.constant 64 : i32
          %dma_wait3A_609 = arith.constant 0 : i32
          %dma_wait3A_610 = tpu.memref_slice %arg8[%dma_wait3A_597, %dma_wait3A_608, %dma_wait3A_609] : memref<4x128x128xf32, #tpu.memory_space<vmem>> -> memref<1x64x128xf32, #tpu.memory_space<vmem>>
          %dma_wait3A_611 = tpu.memref_squeeze %dma_wait3A_610 : memref<1x64x128xf32, #tpu.memory_space<vmem>> -> memref<64x128xf32, #tpu.memory_space<vmem>>
          tpu.wait_dma2 semaphore(%arg10 : memref<!tpu.dma_semaphore, #tpu.memory_space<semaphore_mem>>) src(%dma_wait3A_611 : memref<64x128xf32, #tpu.memory_space<vmem>>) dst(%dma_wait3A_607 : memref<64x128xf32, #tpu.memory_space<hbm>>)
        } else {
        }
        %mul3A_554 = arith.constant 2 : i32
        %mul3A_555 = arith.muli %add3A_543, %mul3A_554 : i32
        %add3A_556 = arith.constant 0 : i32
        %add3A_557 = arith.addi %mul3A_555, %add3A_556 : i32
        %dma_start3A_558 = arith.constant 2 : i32
        %dma_start3A_559 = arith.constant 0 : i32
        %dma_start3A_560 = arith.constant 0 : i32
        %dma_start3A_561 = tpu.memref_slice %arg8[%dma_start3A_558, %dma_start3A_559, %dma_start3A_560] : memref<4x128x128xf32, #tpu.memory_space<vmem>> -> memref<1x64x128xf32, #tpu.memory_space<vmem>>
        %dma_start3A_562 = tpu.memref_squeeze %dma_start3A_561 : memref<1x64x128xf32, #tpu.memory_space<vmem>> -> memref<64x128xf32, #tpu.memory_space<vmem>>
        %dma_start3A_563 = tpu.memref_slice %arg6[%add3A_557, %rem3A_22] : memref<16x128xi32, #tpu.memory_space<vmem>> -> memref<1x64xi32, #tpu.memory_space<vmem>>
        %dma_start3A_564 = tpu.memref_squeeze %dma_start3A_563 : memref<1x64xi32, #tpu.memory_space<vmem>> -> memref<64xi32, #tpu.memory_space<vmem>>
        %dma_start3A_565 = arith.constant 0 : i32
        %dma_start3A_566 = arith.constant 0 : i32
        %dma_start3A_567 = tpu.memref_slice %arg3[%dma_start3A_565, %dma_start3A_566] : memref<100000x128xf32, #tpu.memory_space<hbm>> -> memref<100000x128xf32, #tpu.memory_space<hbm>>
        tpu.enqueue_indirect_dma source(%dma_start3A_567 : memref<100000x128xf32, #tpu.memory_space<hbm>>) target(%dma_start3A_562 : memref<64x128xf32, #tpu.memory_space<vmem>>) offsets(%dma_start3A_564 : memref<64xi32, #tpu.memory_space<vmem>>) semaphore(%arg9 : memref<!tpu.dma_semaphore, #tpu.memory_space<semaphore_mem>>)
        %mul3A_568 = arith.constant 2 : i32
        %mul3A_569 = arith.muli %add3A_543, %mul3A_568 : i32
        %add3A_570 = arith.constant 1 : i32
        %add3A_571 = arith.addi %mul3A_569, %add3A_570 : i32
        %dma_start3A_572 = arith.constant 2 : i32
        %dma_start3A_573 = arith.constant 64 : i32
        %dma_start3A_574 = arith.constant 0 : i32
        %dma_start3A_575 = tpu.memref_slice %arg8[%dma_start3A_572, %dma_start3A_573, %dma_start3A_574] : memref<4x128x128xf32, #tpu.memory_space<vmem>> -> memref<1x64x128xf32, #tpu.memory_space<vmem>>
        %dma_start3A_576 = tpu.memref_squeeze %dma_start3A_575 : memref<1x64x128xf32, #tpu.memory_space<vmem>> -> memref<64x128xf32, #tpu.memory_space<vmem>>
        %dma_start3A_577 = tpu.memref_slice %arg6[%add3A_571, %rem3A_22] : memref<16x128xi32, #tpu.memory_space<vmem>> -> memref<1x64xi32, #tpu.memory_space<vmem>>
        %dma_start3A_578 = tpu.memref_squeeze %dma_start3A_577 : memref<1x64xi32, #tpu.memory_space<vmem>> -> memref<64xi32, #tpu.memory_space<vmem>>
        %dma_start3A_579 = arith.constant 0 : i32
        %dma_start3A_580 = arith.constant 0 : i32
        %dma_start3A_581 = tpu.memref_slice %arg3[%dma_start3A_579, %dma_start3A_580] : memref<100000x128xf32, #tpu.memory_space<hbm>> -> memref<100000x128xf32, #tpu.memory_space<hbm>>
        tpu.enqueue_indirect_dma source(%dma_start3A_581 : memref<100000x128xf32, #tpu.memory_space<hbm>>) target(%dma_start3A_576 : memref<64x128xf32, #tpu.memory_space<vmem>>) offsets(%dma_start3A_578 : memref<64xi32, #tpu.memory_space<vmem>>) semaphore(%arg9 : memref<!tpu.dma_semaphore, #tpu.memory_space<semaphore_mem>>)
      } else {
      }
      %scan3A_549 = arith.constant 0 : i32
      scf.yield %scan3A_549 : i32
    }
    %scan3A_100 = arith.constant 2 : i32
    %dma_wait3A_101 = arith.constant 0 : i32
    %dma_wait3A_102 = arith.constant 0 : i32
    %dma_wait3A_103 = arith.constant 0 : i32
    %dma_wait3A_104 = tpu.memref_slice %arg8[%dma_wait3A_101, %dma_wait3A_102, %dma_wait3A_103] : memref<4x128x128xf32, #tpu.memory_space<vmem>> -> memref<1x64x128xf32, #tpu.memory_space<vmem>>
    %dma_wait3A_105 = tpu.memref_squeeze %dma_wait3A_104 : memref<1x64x128xf32, #tpu.memory_space<vmem>> -> memref<64x128xf32, #tpu.memory_space<vmem>>
    %dma_wait3A_106 = arith.constant 0 : i32
    %dma_wait3A_107 = arith.constant 0 : i32
    %dma_wait3A_108 = tpu.memref_slice %arg5[%dma_wait3A_106, %dma_wait3A_107] : memref<32768x128xf32, #tpu.memory_space<hbm>> -> memref<64x128xf32, #tpu.memory_space<hbm>>
    %dma_wait3A_109 = arith.constant 0 : i32
    %dma_wait3A_110 = arith.constant 0 : i32
    %dma_wait3A_111 = tpu.memref_slice %arg5[%dma_wait3A_109, %dma_wait3A_110] : memref<32768x128xf32, #tpu.memory_space<hbm>> -> memref<64x128xf32, #tpu.memory_space<hbm>>
    %dma_wait3A_112 = arith.constant 0 : i32
    %dma_wait3A_113 = arith.constant 0 : i32
    %dma_wait3A_114 = tpu.memref_slice %arg8[%dma_wait3A_101, %dma_wait3A_112, %dma_wait3A_113] : memref<4x128x128xf32, #tpu.memory_space<vmem>> -> memref<1x64x128xf32, #tpu.memory_space<vmem>>
    %dma_wait3A_115 = tpu.memref_squeeze %dma_wait3A_114 : memref<1x64x128xf32, #tpu.memory_space<vmem>> -> memref<64x128xf32, #tpu.memory_space<vmem>>
    tpu.wait_dma2 semaphore(%arg10 : memref<!tpu.dma_semaphore, #tpu.memory_space<semaphore_mem>>) src(%dma_wait3A_115 : memref<64x128xf32, #tpu.memory_space<vmem>>) dst(%dma_wait3A_111 : memref<64x128xf32, #tpu.memory_space<hbm>>)
    %dma_wait3A_116 = arith.constant 0 : i32
    %dma_wait3A_117 = arith.constant 64 : i32
    %dma_wait3A_118 = arith.constant 0 : i32
    %dma_wait3A_119 = tpu.memref_slice %arg8[%dma_wait3A_116, %dma_wait3A_117, %dma_wait3A_118] : memref<4x128x128xf32, #tpu.memory_space<vmem>> -> memref<1x64x128xf32, #tpu.memory_space<vmem>>
    %dma_wait3A_120 = tpu.memref_squeeze %dma_wait3A_119 : memref<1x64x128xf32, #tpu.memory_space<vmem>> -> memref<64x128xf32, #tpu.memory_space<vmem>>
    %dma_wait3A_121 = arith.constant 0 : i32
    %dma_wait3A_122 = arith.constant 0 : i32
    %dma_wait3A_123 = tpu.memref_slice %arg5[%dma_wait3A_121, %dma_wait3A_122] : memref<32768x128xf32, #tpu.memory_space<hbm>> -> memref<64x128xf32, #tpu.memory_space<hbm>>
    %dma_wait3A_124 = arith.constant 0 : i32
    %dma_wait3A_125 = arith.constant 0 : i32
    %dma_wait3A_126 = tpu.memref_slice %arg5[%dma_wait3A_124, %dma_wait3A_125] : memref<32768x128xf32, #tpu.memory_space<hbm>> -> memref<64x128xf32, #tpu.memory_space<hbm>>
    %dma_wait3A_127 = arith.constant 64 : i32
    %dma_wait3A_128 = arith.constant 0 : i32
    %dma_wait3A_129 = tpu.memref_slice %arg8[%dma_wait3A_116, %dma_wait3A_127, %dma_wait3A_128] : memref<4x128x128xf32, #tpu.memory_space<vmem>> -> memref<1x64x128xf32, #tpu.memory_space<vmem>>
    %dma_wait3A_130 = tpu.memref_squeeze %dma_wait3A_129 : memref<1x64x128xf32, #tpu.memory_space<vmem>> -> memref<64x128xf32, #tpu.memory_space<vmem>>
    tpu.wait_dma2 semaphore(%arg10 : memref<!tpu.dma_semaphore, #tpu.memory_space<semaphore_mem>>) src(%dma_wait3A_130 : memref<64x128xf32, #tpu.memory_space<vmem>>) dst(%dma_wait3A_126 : memref<64x128xf32, #tpu.memory_space<hbm>>)
    %dma_wait3A_131 = arith.constant 1 : i32
    %dma_wait3A_132 = arith.constant 0 : i32
    %dma_wait3A_133 = arith.constant 0 : i32
    %dma_wait3A_134 = tpu.memref_slice %arg8[%dma_wait3A_131, %dma_wait3A_132, %dma_wait3A_133] : memref<4x128x128xf32, #tpu.memory_space<vmem>> -> memref<1x64x128xf32, #tpu.memory_space<vmem>>
    %dma_wait3A_135 = tpu.memref_squeeze %dma_wait3A_134 : memref<1x64x128xf32, #tpu.memory_space<vmem>> -> memref<64x128xf32, #tpu.memory_space<vmem>>
    %dma_wait3A_136 = arith.constant 0 : i32
    %dma_wait3A_137 = arith.constant 0 : i32
    %dma_wait3A_138 = tpu.memref_slice %arg5[%dma_wait3A_136, %dma_wait3A_137] : memref<32768x128xf32, #tpu.memory_space<hbm>> -> memref<64x128xf32, #tpu.memory_space<hbm>>
    %dma_wait3A_139 = arith.constant 0 : i32
    %dma_wait3A_140 = arith.constant 0 : i32
    %dma_wait3A_141 = tpu.memref_slice %arg5[%dma_wait3A_139, %dma_wait3A_140] : memref<32768x128xf32, #tpu.memory_space<hbm>> -> memref<64x128xf32, #tpu.memory_space<hbm>>
    %dma_wait3A_142 = arith.constant 0 : i32
    %dma_wait3A_143 = arith.constant 0 : i32
    %dma_wait3A_144 = tpu.memref_slice %arg8[%dma_wait3A_131, %dma_wait3A_142, %dma_wait3A_143] : memref<4x128x128xf32, #tpu.memory_space<vmem>> -> memref<1x64x128xf32, #tpu.memory_space<vmem>>
    %dma_wait3A_145 = tpu.memref_squeeze %dma_wait3A_144 : memref<1x64x128xf32, #tpu.memory_space<vmem>> -> memref<64x128xf32, #tpu.memory_space<vmem>>
    tpu.wait_dma2 semaphore(%arg10 : memref<!tpu.dma_semaphore, #tpu.memory_space<semaphore_mem>>) src(%dma_wait3A_145 : memref<64x128xf32, #tpu.memory_space<vmem>>) dst(%dma_wait3A_141 : memref<64x128xf32, #tpu.memory_space<hbm>>)
    %dma_wait3A_146 = arith.constant 1 : i32
    %dma_wait3A_147 = arith.constant 64 : i32
    %dma_wait3A_148 = arith.constant 0 : i32
    %dma_wait3A_149 = tpu.memref_slice %arg8[%dma_wait3A_146, %dma_wait3A_147, %dma_wait3A_148] : memref<4x128x128xf32, #tpu.memory_space<vmem>> -> memref<1x64x128xf32, #tpu.memory_space<vmem>>
    %dma_wait3A_150 = tpu.memref_squeeze %dma_wait3A_149 : memref<1x64x128xf32, #tpu.memory_space<vmem>> -> memref<64x128xf32, #tpu.memory_space<vmem>>
    %dma_wait3A_151 = arith.constant 0 : i32
    %dma_wait3A_152 = arith.constant 0 : i32
    %dma_wait3A_153 = tpu.memref_slice %arg5[%dma_wait3A_151, %dma_wait3A_152] : memref<32768x128xf32, #tpu.memory_space<hbm>> -> memref<64x128xf32, #tpu.memory_space<hbm>>
    %dma_wait3A_154 = arith.constant 0 : i32
    %dma_wait3A_155 = arith.constant 0 : i32
    %dma_wait3A_156 = tpu.memref_slice %arg5[%dma_wait3A_154, %dma_wait3A_155] : memref<32768x128xf32, #tpu.memory_space<hbm>> -> memref<64x128xf32, #tpu.memory_space<hbm>>
    %dma_wait3A_157 = arith.constant 64 : i32
    %dma_wait3A_158 = arith.constant 0 : i32
    %dma_wait3A_159 = tpu.memref_slice %arg8[%dma_wait3A_146, %dma_wait3A_157, %dma_wait3A_158] : memref<4x128x128xf32, #tpu.memory_space<vmem>> -> memref<1x64x128xf32, #tpu.memory_space<vmem>>
    %dma_wait3A_160 = tpu.memref_squeeze %dma_wait3A_159 : memref<1x64x128xf32, #tpu.memory_space<vmem>> -> memref<64x128xf32, #tpu.memory_space<vmem>>
    tpu.wait_dma2 semaphore(%arg10 : memref<!tpu.dma_semaphore, #tpu.memory_space<semaphore_mem>>) src(%dma_wait3A_160 : memref<64x128xf32, #tpu.memory_space<vmem>>) dst(%dma_wait3A_156 : memref<64x128xf32, #tpu.memory_space<hbm>>)
    %dma_wait3A_161 = arith.constant 2 : i32
    %dma_wait3A_162 = arith.constant 0 : i32
    %dma_wait3A_163 = arith.constant 0 : i32
    %dma_wait3A_164 = tpu.memref_slice %arg8[%dma_wait3A_161, %dma_wait3A_162, %dma_wait3A_163] : memref<4x128x128xf32, #tpu.memory_space<vmem>> -> memref<1x64x128xf32, #tpu.memory_space<vmem>>
    %dma_wait3A_165 = tpu.memref_squeeze %dma_wait3A_164 : memref<1x64x128xf32, #tpu.memory_space<vmem>> -> memref<64x128xf32, #tpu.memory_space<vmem>>
    %dma_wait3A_166 = arith.constant 0 : i32
    %dma_wait3A_167 = arith.constant 0 : i32
    %dma_wait3A_168 = tpu.memref_slice %arg5[%dma_wait3A_166, %dma_wait3A_167] : memref<32768x128xf32, #tpu.memory_space<hbm>> -> memref<64x128xf32, #tpu.memory_space<hbm>>
    %dma_wait3A_169 = arith.constant 0 : i32
    %dma_wait3A_170 = arith.constant 0 : i32
    %dma_wait3A_171 = tpu.memref_slice %arg5[%dma_wait3A_169, %dma_wait3A_170] : memref<32768x128xf32, #tpu.memory_space<hbm>> -> memref<64x128xf32, #tpu.memory_space<hbm>>
    %dma_wait3A_172 = arith.constant 0 : i32
    %dma_wait3A_173 = arith.constant 0 : i32
    %dma_wait3A_174 = tpu.memref_slice %arg8[%dma_wait3A_161, %dma_wait3A_172, %dma_wait3A_173] : memref<4x128x128xf32, #tpu.memory_space<vmem>> -> memref<1x64x128xf32, #tpu.memory_space<vmem>>
    %dma_wait3A_175 = tpu.memref_squeeze %dma_wait3A_174 : memref<1x64x128xf32, #tpu.memory_space<vmem>> -> memref<64x128xf32, #tpu.memory_space<vmem>>
    tpu.wait_dma2 semaphore(%arg10 : memref<!tpu.dma_semaphore, #tpu.memory_space<semaphore_mem>>) src(%dma_wait3A_175 : memref<64x128xf32, #tpu.memory_space<vmem>>) dst(%dma_wait3A_171 : memref<64x128xf32, #tpu.memory_space<hbm>>)
    %dma_wait3A_176 = arith.constant 2 : i32
    %dma_wait3A_177 = arith.constant 64 : i32
    %dma_wait3A_178 = arith.constant 0 : i32
    %dma_wait3A_179 = tpu.memref_slice %arg8[%dma_wait3A_176, %dma_wait3A_177, %dma_wait3A_178] : memref<4x128x128xf32, #tpu.memory_space<vmem>> -> memref<1x64x128xf32, #tpu.memory_space<vmem>>
    %dma_wait3A_180 = tpu.memref_squeeze %dma_wait3A_179 : memref<1x64x128xf32, #tpu.memory_space<vmem>> -> memref<64x128xf32, #tpu.memory_space<vmem>>
    %dma_wait3A_181 = arith.constant 0 : i32
    %dma_wait3A_182 = arith.constant 0 : i32
    %dma_wait3A_183 = tpu.memref_slice %arg5[%dma_wait3A_181, %dma_wait3A_182] : memref<32768x128xf32, #tpu.memory_space<hbm>> -> memref<64x128xf32, #tpu.memory_space<hbm>>
    %dma_wait3A_184 = arith.constant 0 : i32
    %dma_wait3A_185 = arith.constant 0 : i32
    %dma_wait3A_186 = tpu.memref_slice %arg5[%dma_wait3A_184, %dma_wait3A_185] : memref<32768x128xf32, #tpu.memory_space<hbm>> -> memref<64x128xf32, #tpu.memory_space<hbm>>
    %dma_wait3A_187 = arith.constant 64 : i32
    %dma_wait3A_188 = arith.constant 0 : i32
    %dma_wait3A_189 = tpu.memref_slice %arg8[%dma_wait3A_176, %dma_wait3A_187, %dma_wait3A_188] : memref<4x128x128xf32, #tpu.memory_space<vmem>> -> memref<1x64x128xf32, #tpu.memory_space<vmem>>
    %dma_wait3A_190 = tpu.memref_squeeze %dma_wait3A_189 : memref<1x64x128xf32, #tpu.memory_space<vmem>> -> memref<64x128xf32, #tpu.memory_space<vmem>>
    tpu.wait_dma2 semaphore(%arg10 : memref<!tpu.dma_semaphore, #tpu.memory_space<semaphore_mem>>) src(%dma_wait3A_190 : memref<64x128xf32, #tpu.memory_space<vmem>>) dst(%dma_wait3A_186 : memref<64x128xf32, #tpu.memory_space<hbm>>)
    %dma_wait3A_191 = arith.constant 3 : i32
    %dma_wait3A_192 = arith.constant 0 : i32
    %dma_wait3A_193 = arith.constant 0 : i32
    %dma_wait3A_194 = tpu.memref_slice %arg8[%dma_wait3A_191, %dma_wait3A_192, %dma_wait3A_193] : memref<4x128x128xf32, #tpu.memory_space<vmem>> -> memref<1x64x128xf32, #tpu.memory_space<vmem>>
    %dma_wait3A_195 = tpu.memref_squeeze %dma_wait3A_194 : memref<1x64x128xf32, #tpu.memory_space<vmem>> -> memref<64x128xf32, #tpu.memory_space<vmem>>
    %dma_wait3A_196 = arith.constant 0 : i32
    %dma_wait3A_197 = arith.constant 0 : i32
    %dma_wait3A_198 = tpu.memref_slice %arg5[%dma_wait3A_196, %dma_wait3A_197] : memref<32768x128xf32, #tpu.memory_space<hbm>> -> memref<64x128xf32, #tpu.memory_space<hbm>>
    %dma_wait3A_199 = arith.constant 0 : i32
    %dma_wait3A_200 = arith.constant 0 : i32
    %dma_wait3A_201 = tpu.memref_slice %arg5[%dma_wait3A_199, %dma_wait3A_200] : memref<32768x128xf32, #tpu.memory_space<hbm>> -> memref<64x128xf32, #tpu.memory_space<hbm>>
    %dma_wait3A_202 = arith.constant 0 : i32
    %dma_wait3A_203 = arith.constant 0 : i32
    %dma_wait3A_204 = tpu.memref_slice %arg8[%dma_wait3A_191, %dma_wait3A_202, %dma_wait3A_203] : memref<4x128x128xf32, #tpu.memory_space<vmem>> -> memref<1x64x128xf32, #tpu.memory_space<vmem>>
    %dma_wait3A_205 = tpu.memref_squeeze %dma_wait3A_204 : memref<1x64x128xf32, #tpu.memory_space<vmem>> -> memref<64x128xf32, #tpu.memory_space<vmem>>
    tpu.wait_dma2 semaphore(%arg10 : memref<!tpu.dma_semaphore, #tpu.memory_space<semaphore_mem>>) src(%dma_wait3A_205 : memref<64x128xf32, #tpu.memory_space<vmem>>) dst(%dma_wait3A_201 : memref<64x128xf32, #tpu.memory_space<hbm>>)
    %dma_wait3A_206 = arith.constant 3 : i32
    %dma_wait3A_207 = arith.constant 64 : i32
    %dma_wait3A_208 = arith.constant 0 : i32
    %dma_wait3A_209 = tpu.memref_slice %arg8[%dma_wait3A_206, %dma_wait3A_207, %dma_wait3A_208] : memref<4x128x128xf32, #tpu.memory_space<vmem>> -> memref<1x64x128xf32, #tpu.memory_space<vmem>>
    %dma_wait3A_210 = tpu.memref_squeeze %dma_wait3A_209 : memref<1x64x128xf32, #tpu.memory_space<vmem>> -> memref<64x128xf32, #tpu.memory_space<vmem>>
    %dma_wait3A_211 = arith.constant 0 : i32
    %dma_wait3A_212 = arith.constant 0 : i32
    %dma_wait3A_213 = tpu.memref_slice %arg5[%dma_wait3A_211, %dma_wait3A_212] : memref<32768x128xf32, #tpu.memory_space<hbm>> -> memref<64x128xf32, #tpu.memory_space<hbm>>
    %dma_wait3A_214 = arith.constant 0 : i32
    %dma_wait3A_215 = arith.constant 0 : i32
    %dma_wait3A_216 = tpu.memref_slice %arg5[%dma_wait3A_214, %dma_wait3A_215] : memref<32768x128xf32, #tpu.memory_space<hbm>> -> memref<64x128xf32, #tpu.memory_space<hbm>>
    %dma_wait3A_217 = arith.constant 64 : i32
    %dma_wait3A_218 = arith.constant 0 : i32
    %dma_wait3A_219 = tpu.memref_slice %arg8[%dma_wait3A_206, %dma_wait3A_217, %dma_wait3A_218] : memref<4x128x128xf32, #tpu.memory_space<vmem>> -> memref<1x64x128xf32, #tpu.memory_space<vmem>>
    %dma_wait3A_220 = tpu.memref_squeeze %dma_wait3A_219 : memref<1x64x128xf32, #tpu.memory_space<vmem>> -> memref<64x128xf32, #tpu.memory_space<vmem>>
    tpu.wait_dma2 semaphore(%arg10 : memref<!tpu.dma_semaphore, #tpu.memory_space<semaphore_mem>>) src(%dma_wait3A_220 : memref<64x128xf32, #tpu.memory_space<vmem>>) dst(%dma_wait3A_216 : memref<64x128xf32, #tpu.memory_space<hbm>>)
    return
  }
}

</mosaic_0001>

<sc_bundles>
// kernel: kernel.3.cloned.1.call-start
scs
__scs_entry_jumppad:
0x0: {  	(pc) =	sbr.rel $0x88, $3  }
0x1: {  	(tag) =	ssettag $0x0;
	lr =	simm.s32 $0x1  }
0x2: {  	[smem:$0x3F9E] =	sst lr;
	_ =	strace $0xD0000000  }
0x3: {  	_ = 	snop  }
0x4: {  	_ = 	snop  }
0x5: {  	_ = 	snop  }
0x6: {  	_ = 	snop  }
0x7: {  	_ = 	snop  }
__scs_overlays_trampoline_lowered:
0x8: {  	[smem:$0x3FAD] =	sst s0  }
0x9: {  	[smem:$0x3FAE] =	sst s1  }
0xa: {  	[smem:$0x3FAF] =	sst s2  }
0xb: {  	[smem:$0x3FB0] =	sst s3  }
0xc: {  	[smem:$0x3FB1] =	sst s4  }
0xd: {  	[smem:$0x3FB2] =	sst s5  }
0xe: {  	[smem:$0x3FB3] =	sst s6  }
0xf: {  	[smem:$0x3FB4] =	sst s7  }
0x10: {  	[smem:$0x3FB5] =	sst s8  }
0x11: {  	[smem:$0x3FB6] =	sst s9;
	s0 =	simm.s32 @!p0 $0x0  }
0x12: {  	s1 =	sld [smem:$0x3F9C];
	s0 =	simm.s32 @p0 $0x1  }
0x13: {  	[smem:$0x3FB7] =	sst s0;
	s0 =	simm.s32 @!p1 $0x0  }
0x14: {  	s2 =	sld [smem:$0x3F9B];
	s0 =	simm.s32 @p1 $0x1  }
0x15: {  	[smem:$0x3FB8] =	sst s0;
	s0 =	simm.s32 @!p2 $0x0  }
0x16: {  	s3 =	sld [smem:$0x3FDB];
	s0 =	simm.s32 @p2 $0x1  }
0x17: {  	s4 =	simm.s32 $0x1BF5;
	[smem:$0x3FBA] =	sst s0  }
0x18: {  	s0 =	sld [smem:$0x3F9D];
	_ =	swait.ge [sflag:s4], $0x0  }
0x19: {  	s7 =	sld [smem:$0x3F9E]  }
0x1a: {  	s8 =	sadd.s32 $0xFFFFE003, lr  }
0x1b: {  	s9 =	sadd.s32 $0xFFFFFEF7, lr;
	s5 =	simm.s32 $0xFFFFFFFF;
	p2 =	slt.u32 s8, $0xFFFFF086  }
0x1c: {  	p1 =	slt.u32 s9, $0xF7A;
	s5 =	simm.s32 @!p2 $0x0  }
0x1d: {  	s5 =	simm.s32 @p1 $0x1;
	p0 =	seq.s32 s7, s2  }
0x1e: {  	s7 =	smul.u32 @!p0 $0xF7A, s2;
	p2 =	seq.s32 @!p0 s5, $0x0  }
0x1f: {  	s9 =	smul.u32 $0xF7A, s1;
	s8 =	simm.s32 @!p0 $0x1BF5;
	p2 =	por !p2, p0  }
0x20: {  	[sflag:s8] =	ssyncset.s32 @!p0 $0xFFFFF086;
	s6 =	sadd.s32 @!p0 s3, s7;
	s7 =	simm.s32 @!p0 $0x108  }
0x21: {  	s3 =	sadd.s32 s3, s9;
	s6 =	sadd.s32 @!p0 $0x88, s6;
	s7 =	simm.s32 @p2 $0x1082  }
0x22: {  	[simem:s7], [sflag:s8] =	dma.local @!p0 [hbm:s6], $0xF7A  }
0x23: {  	s9 =	sor.u32 $0xD0000000, s2;
	s6 =	simm.s32 $0x108;
	_ =	swait.ge @!p0 [sflag:s8], $0x0  }
0x24: {  	s3 =	sadd.s32 $0x88, s3;
	s6 =	simm.s32 @!p1 $0x1082;
	[sflag:s4] =	ssyncset.s32 $0xFFFFF086  }
0x25: {  	[simem:s6], [sflag:s4] =	dma.local [hbm:s3], $0xF7A  }
0x26: {  	[smem:$0x3F9E] =	sst s1;
	(tag) =	ssettag s2;
	_ =	strace s9  }
0x27: {  	s1 =	sld [smem:$0x3FAE]  }
0x28: {  	s2 =	sld [smem:$0x3FAF]  }
0x29: {  	s4 =	sld [smem:$0x3FB1]  }
0x2a: {  	p0 =	seq.s32 s5, $0x0;
	s5 =	sld [smem:$0x3FB2]  }
0x2b: {  	s6 =	sld [smem:$0x3FB3]  }
0x2c: {  	s7 =	sld [smem:$0x3FB4]  }
0x2d: {  	s3 =	simm.s32 $0x108;
	s8 =	sld [smem:$0x3FB5]  }
0x2e: {  	s3 =	simm.s32 @!p0 $0x1082;
	s9 =	sld [smem:$0x3FB6]  }
0x2f: {  	lr =	sadd.s32 s0, s3;
	s0 =	sld [smem:$0x3FAD]  }
0x30: {  	s3 =	sld [smem:$0x3FB0]  }
0x31: {  	[smem:$0x3FB9] =	sst s10  }
0x32: {  	s10 =	sld [smem:$0x3FB7];
	_ =	sdelay $0x3  }
0x33: {  	p0 =	seq.s32 s10, $0x1;
	s10 =	sld [smem:$0x3FB9];
	_ =	sdelay $0x3  }
0x34: {  	[smem:$0x3FB9] =	sst s10  }
0x35: {  	s10 =	sld [smem:$0x3FB8];
	_ =	sdelay $0x3  }
0x36: {  	p1 =	seq.s32 s10, $0x1;
	s10 =	sld [smem:$0x3FB9];
	_ =	sdelay $0x3  }
0x37: {  	[smem:$0x3FB9] =	sst s10  }
0x38: {  	s10 =	sld [smem:$0x3FBA]  }
0x39: {  	_ = 	snop;
	(pc) =	sbr.ind lr, $3  }
0x3a: {  	_ = 	snop  }
0x3b: {  	_ = 	snop  }
0x3c: {  	p2 =	seq.s32 s10, $0x1;
	s10 =	sld [smem:$0x3FB9]  }
0x3d: {  	_ =	shalt  }
0x3e: {  	_ =	shalt  }
0x3f: {  	_ =	shalt  }
0x40: {  	_ =	shalt  }
0x41: {  	_ =	shalt  }
0x42: {  	_ =	shalt  }
0x43: {  	_ =	shalt  }
0x44: {  	_ =	shalt  }
0x45: {  	_ =	shalt  }
0x46: {  	_ =	shalt  }
0x47: {  	_ =	shalt  }
0x48: {  	_ =	shalt  }
0x49: {  	_ =	shalt  }
0x4a: {  	_ =	shalt  }
0x4b: {  	_ =	shalt  }
0x4c: {  	_ =	shalt  }
0x4d: {  	_ =	shalt  }
0x4e: {  	_ =	shalt  }
0x4f: {  	_ =	shalt  }
0x50: {  	_ =	shalt  }
0x51: {  	_ =	shalt  }
0x52: {  	_ =	shalt  }
0x53: {  	_ =	shalt  }
0x54: {  	_ =	shalt  }
0x55: {  	_ =	shalt  }
0x56: {  	_ =	shalt  }
0x57: {  	_ =	shalt  }
0x58: {  	_ =	shalt  }
0x59: {  	_ =	shalt  }
0x5a: {  	_ =	shalt  }
0x5b: {  	_ =	shalt  }
0x5c: {  	_ =	shalt  }
0x5d: {  	_ =	shalt  }
0x5e: {  	_ =	shalt  }
0x5f: {  	_ =	shalt  }
0x60: {  	_ =	shalt  }
0x61: {  	_ =	shalt  }
0x62: {  	_ =	shalt  }
0x63: {  	_ =	shalt  }
0x64: {  	_ =	shalt  }
0x65: {  	_ =	shalt  }
0x66: {  	_ =	shalt  }
0x67: {  	_ =	shalt  }
0x68: {  	_ =	shalt  }
0x69: {  	_ =	shalt  }
0x6a: {  	_ =	shalt  }
0x6b: {  	_ =	shalt  }
0x6c: {  	_ =	shalt  }
0x6d: {  	_ =	shalt  }
0x6e: {  	_ =	shalt  }
0x6f: {  	_ =	shalt  }
0x70: {  	_ =	shalt  }
0x71: {  	_ =	shalt  }
0x72: {  	_ =	shalt  }
0x73: {  	_ =	shalt  }
0x74: {  	_ =	shalt  }
0x75: {  	_ =	shalt  }
0x76: {  	_ =	shalt  }
0x77: {  	_ =	shalt  }
0x78: {  	_ =	shalt  }
0x79: {  	_ =	shalt  }
0x7a: {  	_ =	shalt  }
0x7b: {  	_ =	shalt  }
0x7c: {  	_ =	shalt  }
0x7d: {  	_ =	shalt  }
0x7e: {  	_ =	shalt  }
0x7f: {  	_ =	shalt  }
0x80: {  	_ =	shalt  }
0x81: {  	_ =	shalt  }
0x82: {  	_ =	shalt  }
0x83: {  	_ =	shalt  }
0x84: {  	_ =	shalt  }
0x85: {  	_ =	shalt  }
0x86: {  	_ =	shalt  }
0x87: {  	_ =	shalt  }
.Lfunc_end0:
.L_simem_size_0:
called_computation_lowered:
.L_overlay_start_0:
0x88: {  	s2 =	sld [smem:$0x3FD9]  }
0x89: {  	s3 =	sld [smem:$0x3FFE];
	_ =	sdelay $0x1  }
0x8a: {  	s1 =	srdreg.scid  }
0x8b: {  	s0 =	sand.u32 $0x1, s1  }
0x8c: {  	s18 =	sshll.u32 s0, $0xA;
	s2 =	sadd.s32 s3, s2  }
0x8d: {  	s2 =	sadd.s32 s2, s18  }
0x8e: {  	[smem:$0x3FC5] =	sst s2  }
0x8f: {  	_ = 	snop  }
0x90: {  	s2 =	sld [smem:$0x3FC9]  }
0x91: {  	s19 =	sld [smem:$0x3FC8]  }
0x92: {  	s4 =	sld [smem:$0x3FC7]  }
0x93: {  	s5 =	sld [smem:$0x3FD0];
	(tm) =	ssettm $0x1  }
0x94: {  	s6 =	sld [smem:$0x3FFB];
	_ =	sdelay $0x3  }
0x95: {  	_ =	strace s6  }
0x96: {  	s6 =	sld [smem:$0x3FFC];
	_ =	sdelay $0x3  }
0x97: {  	_ =	strace s6  }
0x98: {  	s6 =	sld [smem:$0x3FFD];
	_ =	sdelay $0x3  }
0x99: {  	_ =	strace s6  }
0x9a: {  	_ =	strace $0x8FFFFFFF  }
0x9b: {  	s20 =	sld [smem:$0x3FDB];
	_ =	sdelay $0x1  }
0x9c: {  	s7 =	simm.s32 $_scs_section_size  }
0x9d: {  	s8 =	simm.s32 $_size__tile_overlayer_lowered;
	s9 =	simm.s32 $_tile_overlayer_lowered  }
0x9e: {  	s23 =	simm.s32 $0x1BFF;
	s22 =	sshll.u32 s9, $0x1;
	s6 =	sadd.s32 s7, s20  }
0x9f: {  	s10 =	simm.s32 $0x0;
	s21 =	sshll.u32 s8, $0x1;
	s8 =	sadd.s32 s22, s6  }
0xa0: {  	[timem:s10], [sflag:s23] =	dma.local [hbm:s8], s21  }
0xa1: {  	_ =	swait.ge [sflag:s23], s21  }
0xa2: {  	s7 =	ssub.s32 $0x0, s21;
	[sflag:s23] =	ssyncset.done $0x0  }
0xa3: {  	[sflag:s23] =	ssyncadd.s32 s7;
	_ =	sdelay $0x1  }
0xa4: {  	s24 =	simm.s32 $0x1B8B  }
0xa5: {  	_ =	swait.ge [sflag:s24], $0x1  }
0xa6: {  	[sflag:s24] =	ssyncset.done $0x0  }
0xa7: {  	s25 =	simm.s32 $0x1B8E;
	[sflag:s24] =	ssyncadd.s32 $0xFFFFFFFF  }
0xa8: {  	s26 =	simm.s32 $execute0_lowered;
	[smem:$0x3FD2] =	sst s25  }
0xa9: {  	s7 =	sshll.u32 s26, $0x1;
	_ =	strace $0x80000046;
	[dreg:$0x1] =	wrdreg $0xFFFFFFFF  }
0xaa: {  	s28 =	simm.s32 $_size_execute0_lowered;
	s6 =	sadd.s32 s6, s7;
	[dreg:$0x0] =	wrdreg $0x0  }
0xab: {  	s7 =	sshll.u32 s28, $0x1;
	[dreg:$0x2] =	wrdreg s6  }
0xac: {  	[dreg:$0x3] =	wrdreg s7  }
0xad: {  	[dreg:$0x4] =	wrdreg $0xC0  }
0xae: {  	_ =	task [dreg:s10], $0x5FFFF  }
0xaf: {  	[dreg:$0x1] =	wrdreg $0xFFFFFFFF  }
0xb0: {  	[dreg:$0x0] =	wrdreg $0x60  }
0xb1: {  	[dreg:$0x2] =	wrdreg s2  }
0xb2: {  	[dreg:$0x3] =	wrdreg s19  }
0xb3: {  	[dreg:$0x4] =	wrdreg s4  }
0xb4: {  	[dreg:$0x5] =	wrdreg s5  }
0xb5: {  	[dreg:$0x6] =	wrdreg $0x9  }
0xb6: {  	_ =	task.clear_ibuf [dreg:s10], $0x7FFFF;
	_ =	strace $0x90000046  }
0xb7: {  	s29 =	simm.s32 $0x9;
	_ =	strace $0x80000048  }
0xb8: {  	_ =	swait.ge [sflag:s29], $0x1  }
0xb9: {  	[sflag:s29] =	ssyncadd.s32 $0xFFFFFFFF  }
0xba: {  	_ =	strace $0x90000048  }
0xbb: {  	_ =	sfence  }
0xbc: {  	s30 =	sld [smem:$0x0];
	_ =	sdelay $0x2  }
0xbd: {  	s31 =	sshll.u32 s1, $0xD;
	s1 =	sshrl.u32 s1, $0x2  }
0xbe: {  	s3 =	sand.u32 $0x4000, s31;
	s1 =	sadd.s32 s1, s30  }
0xbf: {  	s0 =	sor.u32 s3, s0;
	s1 =	sshll.u32 s1, $0x11  }
0xc0: {  	s0 =	sor.u32 s1, s0  }
0xc1: {  	s0 =	sadd.s32 $0x8F2B, s0  }
0xc2: {  	[sflag:s0] =	ssyncadd.remote.s32 $0x1  }
0xc3: {  	_ =	sfence.sel $0xFFFF  }
0xc4: {  	[dreg:$0x0] =	wrdreg $0xFFFFFFFF;
	(pc) =	sbr.abs _section_cstart, $3  }
0xc5: {  	[dreg:$0x1] =	wrdreg $0xFFFFFFFF  }
0xc6: {  	_ =	task.clear_ibuf [dreg:s10], $0x2FFFF;
	_ =	strace $0x9FFFFFFF  }
0xc7: {  	(tm) =	ssettm $0x7FFFFFFF  }
tec
execute0_lowered:
.L_overlay_start_1:
0x0: {  	(tag) =	ssettag $0x1  }
0x1: {  	s2 =	rddreg [dreg:$0x0]  }
0x2: {  	s1 =	rddreg [dreg:$0x1]  }
0x3: {  	s0 =	srdreg.scid;
	s8 =	rddreg [dreg:$0x2]  }
0x4: {  	s10 =	stileid.u32;
	s22 =	rddreg [dreg:$0x3]  }
0x5: {  	s5 =	simm.s32 $0x1;
	s4 =	simm.s32 $0x0;
	s0 =	sand.u32 $0x1, s0  }
0x6: {  	s3 =	sshll.u32 s10, $0x1;
	[smem:$0x7FF] =	sst s4;
	s13 =	sadd.s32 $0x8000, s22  }
0x7: {  	s30 =	sadd.s32 $0x10000, s22;
	s15 =	sadd.s32 $0x18000, s22;
	s18 =	sadd.s32 $0x20000, s22  }
0x8: {  	s14 =	smov.u32 s22;
	s19 =	sadd.s32 $0x28000, s22;
	s6 =	sor.u32 s0, s3  }
0x9: {  	p1 =	seq.s32 s0, $0x1;
	s7 =	ssub.s32 $0x2, s0;
	_ =	strace $0x80000047  }
0xa: {  	[dreg:$0xa] =	wrdreg s30;
	p0 =	seq.s32 s6, $0x0;
	s9 =	sshrl.u32 s7, $0x1  }
0xb: {  	s6 =	sshll.u32 s6, $0xA;
	p0 =	por !p0, !p1;
	s9 =	ssub.s32 s7, s9  }
0xc: {  	s7 =	simm.s32 $0x1;
	s25 =	sadd.s32 s8, s6;
	p0 =	por !p0, !p0  }
0xd: {  	s8 =	simm.s32 $0x2;
	[dreg:$0x6] =	wrdreg s25;
	s5 =	simm.s32 @!p0 $0x0  }
0xe: {  	s31 =	smax.u32 s9, $0x1;
	s9 =	simm.s32 $0x0;
	s5 =	ssub.s32 s10, s5  }
0xf: {  	[dreg:$0xb] =	wrdreg s31;
	s23 =	sshll.u32 s5, $0x7;
	s5 =	sshll.u32 s0, $0x6  }
0x10: {  	s24 =	sand.u32 $0x1FFFFF80, s23;
	s26 =	sor.u32 $0x80, s5;
	s28 =	sor.u32 $0x100, s5  }
0x11: {  	s29 =	sor.u32 $0x180, s5;
	s16 =	sor.u32 $0x400, s5;
	s17 =	sor.u32 $0x480, s5  }
0x12: {  	s20 =	sor.u32 $0x500, s5;
	s21 =	sor.u32 $0x580, s5;
	[dreg:$0x7] =	wrdreg s26  }
0x13: {  	s23 =	simm.s32 $0xE800;
	s0 =	sadd.s32 s2, s24;
	[dreg:$0x8] =	wrdreg s28  }
0x14: {  	[dreg:$0x9] =	wrdreg s29;
	s26 =	simm.s32 $0x40;
	s2 =	simm.s32 $0xA800  }
0x15: {  	s24 =	simm.s32 $0x10800;
	[dreg:$0x5] =	wrdreg s0;
	s0 =	simm.s32 $0xC800  }
.LBB2_1:
0x16: {  	[dreg:$0xc] =	wrdreg s9  }
0x17: {  	s3 =	rddreg [dreg:$0x5];
	s31 =	simm.s32 $0x400;
	s10 =	simm.s32 $0x4000  }
0x18: {  	[tilespmem:s4], [sflag:$0x1] =	stream.strided.gather [hbm4b:s3+s31], $0x800, s10, s31, $0x38;
	[tilespmem:$0x12800] =	vst v63  }
0x19: {  	s9 =	simm.s32 $0x800;
	s11 =	simm.s32 $0x3;
	s10 =	rddreg [dreg:$0x6]  }
0x1a: {  	[tilespmem:s9], [sflag:$0x3] =	stream.linear.gather [hbm4b:s10+s4], $0x2000, $0x38;
	[tilespmem:$0x12800] =	vst v63  }
0x1b: {  	_ =	swait.ge [sflag:s11], $0x2000  }
0x1c: {  	[sflag:s11] =	ssyncset.done $0x0  }
0x1d: {  	[sflag:s11] =	ssyncadd.s32 $0xFFFFE000  }
0x1e: {  	_ =	swait.ge [sflag:s7], $0x800  }
0x1f: {  	[sflag:s7] =	ssyncset.done $0x0  }
0x20: {  	s12 =	simm.s32 $0x2800;
	[sflag:s7] =	ssyncadd.s32 $0xFFFFF800  }
0x21: {  	[tilespmem:s12], [sflag:$0x1] =	stream.indirect.gather [hbm4b:s1+s26], $0x80, s5, s26, $0xb8;
	[tilespmem:$0x12800] =	vst v63  }
0x22: {  	s25 =	simm.s32 $0x4800;
	s29 =	simm.s32 $0x6800;
	s22 =	rddreg [dreg:$0x7]  }
0x23: {  	[tilespmem:s25], [sflag:$0x1] =	stream.indirect.gather [hbm4b:s1+s26], $0x80, s22, s26, $0xb8;
	[tilespmem:$0x12800] =	vst v63  }
0x24: {  	p1 =	por $0x1, $0x1;
	s31 =	simm.s32 $0x8800;
	s28 =	rddreg [dreg:$0x8]  }
0x25: {  	[tilespmem:s29], [sflag:$0x1] =	stream.indirect.gather [hbm4b:s1+s26], $0x80, s28, s26, $0xb8;
	[tilespmem:$0x12800] =	vst v63  }
0x26: {  	s10 =	simm.s32 $0x0;
	s11 =	simm.s32 $0xA00;
	s30 =	rddreg [dreg:$0x9]  }
0x27: {  	[tilespmem:s31], [sflag:$0x1] =	stream.indirect.gather [hbm4b:s1+s26], $0x80, s30, s26, $0xb8;
	[tilespmem:$0x12800] =	vst v63  }
.LBB2_2:
0x28: {  	s9 =	sshra.s32 s9, $0x2  }
0x29: {  	s11 =	sshra.s32 s11, $0x2;
	s9 =	sadd.s32 s9, s5  }
0x2a: {  	[tilespmem:s2], [sflag:$0x1] =	stream.indirect.gather [hbm4b:s1+s26], $0x80, s9, s26, $0xb8;
	[tilespmem:$0x12800] =	vst v63  }
0x2b: {  	s25 =	sadd.s32 s11, s5  }
0x2c: {  	[tilespmem:s0], [sflag:$0x1] =	stream.indirect.gather [hbm4b:s1+s26], $0x80, s25, s26, $0xb8;
	[tilespmem:$0x12800] =	vst v63  }
0x2d: {  	_ =	swait.ge [sflag:s7], $0x2000  }
0x2e: {  	[sflag:s7] =	ssyncset.done $0x0  }
0x2f: {  	[sflag:s7] =	ssyncadd.s32 $0xFFFFE000  }
0x30: {  	_ =	swait.ge [sflag:s7], $0x2000  }
0x31: {  	s29 =	simm.s32 $0x100;
	[sflag:s7] =	ssyncset.done $0x0  }
0x32: {  	s30 =	simm.s32 $0x0;
	s9 =	sand.u32 $0x1F00, s29;
	[sflag:s7] =	ssyncadd.s32 $0xFFFFE000  }
0x33: {  	s12 =	simm.s32 $0x80;
	s25 =	sand.u32 $0x1E00, s30;
	v0 =	vld [tilespmem:s9+$0x800]  }
0x34: {  	s22 =	sand.u32 $0x1E80, s12;
	v1 =	vld [tilespmem:s25+$0x800]  }
0x35: {  	s31 =	simm.s32 $0x180;
	v2 =	vld [tilespmem:s22+$0x800]  }
0x36: {  	s11 =	sand.u32 $0x1F80, s31  }
0x37: {  	s12 =	simm.s32 $0x29F0;
	v3 =	vld [tilespmem:s11+$0x800]  }
0x38: {  	[tilespmem:s12+$0xFFFFFF10] =	vst.add.f32.msk $0xffff, v0  }
0x39: {  	[tilespmem:s12+$0xFFFFFE10] =	vst.add.f32.msk $0xffff, v1  }
0x3a: {  	[tilespmem:s12+$0xFFFFFE90] =	vst.add.f32.msk $0xffff, v2  }
0x3b: {  	v0 =	vld [tilespmem:s9+$0x810]  }
0x3c: {  	v1 =	vld [tilespmem:s25+$0x810]  }
0x3d: {  	v2 =	vld [tilespmem:s22+$0x810]  }
0x3e: {  	[tilespmem:s12+$0xFFFFFF90] =	vst.add.f32.msk $0xffff, v3  }
0x3f: {  	v3 =	vld [tilespmem:s11+$0x810]  }
0x40: {  	[tilespmem:s12+$0xFFFFFF20] =	vst.add.f32.msk $0xffff, v0  }
0x41: {  	[tilespmem:s12+$0xFFFFFE20] =	vst.add.f32.msk $0xffff, v1  }
0x42: {  	[tilespmem:s12+$0xFFFFFEA0] =	vst.add.f32.msk $0xffff, v2  }
0x43: {  	v0 =	vld [tilespmem:s9+$0x820]  }
0x44: {  	v1 =	vld [tilespmem:s25+$0x820]  }
0x45: {  	v2 =	vld [tilespmem:s22+$0x820]  }
0x46: {  	[tilespmem:s12+$0xFFFFFFA0] =	vst.add.f32.msk $0xffff, v3  }
0x47: {  	v3 =	vld [tilespmem:s11+$0x820]  }
0x48: {  	[tilespmem:s12+$0xFFFFFF30] =	vst.add.f32.msk $0xffff, v0  }
0x49: {  	[tilespmem:s12+$0xFFFFFE30] =	vst.add.f32.msk $0xffff, v1  }
0x4a: {  	[tilespmem:s12+$0xFFFFFEB0] =	vst.add.f32.msk $0xffff, v2  }
0x4b: {  	v0 =	vld [tilespmem:s9+$0x830]  }
0x4c: {  	v1 =	vld [tilespmem:s25+$0x830]  }
0x4d: {  	[tilespmem:s12+$0xFFFFFFB0] =	vst.add.f32.msk $0xffff, v3  }
0x4e: {  	v2 =	vld [tilespmem:s22+$0x830]  }
0x4f: {  	v3 =	vld [tilespmem:s11+$0x830]  }
0x50: {  	[tilespmem:s12+$0xFFFFFF40] =	vst.add.f32.msk $0xffff, v0  }
0x51: {  	[tilespmem:s12+$0xFFFFFE40] =	vst.add.f32.msk $0xffff, v1  }
0x52: {  	v0 =	vld [tilespmem:s9+$0x840]  }
0x53: {  	[tilespmem:s12+$0xFFFFFEC0] =	vst.add.f32.msk $0xffff, v2  }
0x54: {  	[tilespmem:s12+$0xFFFFFFC0] =	vst.add.f32.msk $0xffff, v3  }
0x55: {  	v1 =	vld [tilespmem:s25+$0x840]  }
0x56: {  	v2 =	vld [tilespmem:s22+$0x840]  }
0x57: {  	[tilespmem:s12+$0xFFFFFF50] =	vst.add.f32.msk $0xffff, v0  }
0x58: {  	v0 =	vld [tilespmem:s9+$0x850]  }
0x59: {  	v3 =	vld [tilespmem:s11+$0x840]  }
0x5a: {  	[tilespmem:s12+$0xFFFFFE50] =	vst.add.f32.msk $0xffff, v1  }
0x5b: {  	[tilespmem:s12+$0xFFFFFED0] =	vst.add.f32.msk $0xffff, v2  }
0x5c: {  	v1 =	vld [tilespmem:s22+$0x850]  }
0x5d: {  	[tilespmem:s12+$0xFFFFFF60] =	vst.add.f32.msk $0xffff, v0  }
0x5e: {  	v0 =	vld [tilespmem:s9+$0x860]  }
0x5f: {  	[tilespmem:s12+$0xFFFFFFD0] =	vst.add.f32.msk $0xffff, v3  }
0x60: {  	v2 =	vld [tilespmem:s11+$0x850];
	_ =	sdelay $0x1  }
0x61: {  	[tilespmem:s12+$0xFFFFFEE0] =	vst.add.f32.msk $0xffff, v1  }
0x62: {  	[tilespmem:s12+$0xFFFFFF70] =	vst.add.f32.msk $0xffff, v0  }
0x63: {  	v0 =	vld [tilespmem:s25+$0x850]  }
0x64: {  	[tilespmem:s12+$0xFFFFFFE0] =	vst.add.f32.msk $0xffff, v2  }
0x65: {  	v1 =	vld [tilespmem:s22+$0x860]  }
0x66: {  	v2 =	vld [tilespmem:s11+$0x860]  }
0x67: {  	v3 =	vld [tilespmem:s9+$0x870]  }
0x68: {  	[tilespmem:s12+$0xFFFFFE60] =	vst.add.f32.msk $0xffff, v0  }
0x69: {  	v0 =	vld [tilespmem:s25+$0x860];
	_ =	sdelay $0x1  }
0x6a: {  	[tilespmem:s12+$0xFFFFFEF0] =	vst.add.f32.msk $0xffff, v1  }
0x6b: {  	[tilespmem:s12+$0xFFFFFFF0] =	vst.add.f32.msk $0xffff, v2  }
0x6c: {  	[tilespmem:s12+$0xFFFFFF80] =	vst.add.f32.msk $0xffff, v3  }
0x6d: {  	p0 =	por p1, p1;
	[tilespmem:s12+$0xFFFFFE70] =	vst.add.f32.msk $0xffff, v0  }
0x6e: {  	s28 =	simm.s32 $0x29F0;
	s9 =	simm.s32 $0x380;
	v0 =	vld [tilespmem:s25+$0x870];
	s25 =	simm.s32 $0x0  }
.LBB2_3:
0x6f: {  	s31 =	sadd.s32 $0xFFFFFF00, s9;
	s29 =	sadd.s32 $0xFFFFFF80, s9;
	s25 =	sadd.s32 $0x4, s25;
	v1 =	vld [tilespmem:s22+$0x870]  }
0x70: {  	s22 =	sadd.s32 $0xFFFFFE80, s9;
	s30 =	sand.u32 $0x1F00, s29;
	p1 =	slt.u32 s25, $0x7C;
	v2 =	vld [tilespmem:s11+$0x870]  }
0x71: {  	s29 =	sand.u32 $0x1E00, s22;
	s22 =	sand.u32 $0x1E80, s31;
	s11 =	sand.u32 $0x1F80, s9;
	v3 =	vld [tilespmem:s30+$0x800]  }
0x72: {  	v4 =	vld [tilespmem:s29+$0x800]  }
0x73: {  	v5 =	vld [tilespmem:s22+$0x800]  }
0x74: {  	v6 =	vld [tilespmem:s11+$0x800]  }
0x75: {  	s28 =	sadd.s32 $0x200, s28;
	[tilespmem:s12+$0xFFFFFE80] =	vst.add.f32.msk $0xffff, v0  }
0x76: {  	[tilespmem:s28+$0xFFFFFF10] =	vst.add.f32.msk $0xffff, v3  }
0x77: {  	v0 =	vld [tilespmem:s30+$0x810]  }
0x78: {  	[tilespmem:s28+$0xFFFFFE10] =	vst.add.f32.msk $0xffff, v4  }
0x79: {  	[tilespmem:s28+$0xFFFFFE90] =	vst.add.f32.msk $0xffff, v5  }
0x7a: {  	[tilespmem:s28+$0xFFFFFF90] =	vst.add.f32.msk $0xffff, v6  }
0x7b: {  	v3 =	vld [tilespmem:s29+$0x810]  }
0x7c: {  	[tilespmem:s28+$0xFFFFFF20] =	vst.add.f32.msk $0xffff, v0  }
0x7d: {  	v0 =	vld [tilespmem:s30+$0x820]  }
0x7e: {  	v4 =	vld [tilespmem:s22+$0x810]  }
0x7f: {  	v5 =	vld [tilespmem:s11+$0x810]  }
0x80: {  	[tilespmem:s28+$0xFFFFFE20] =	vst.add.f32.msk $0xffff, v3  }
0x81: {  	v3 =	vld [tilespmem:s29+$0x820]  }
0x82: {  	[tilespmem:s28+$0xFFFFFF30] =	vst.add.f32.msk $0xffff, v0  }
0x83: {  	v0 =	vld [tilespmem:s30+$0x830]  }
0x84: {  	[tilespmem:s28+$0xFFFFFEA0] =	vst.add.f32.msk $0xffff, v4  }
0x85: {  	[tilespmem:s28+$0xFFFFFFA0] =	vst.add.f32.msk $0xffff, v5  }
0x86: {  	v4 =	vld [tilespmem:s22+$0x820]  }
0x87: {  	v5 =	vld [tilespmem:s11+$0x820]  }
0x88: {  	[tilespmem:s28+$0xFFFFFF40] =	vst.add.f32.msk $0xffff, v0  }
0x89: {  	v0 =	vld [tilespmem:s30+$0x840]  }
0x8a: {  	[tilespmem:s28+$0xFFFFFE30] =	vst.add.f32.msk $0xffff, v3  }
0x8b: {  	[tilespmem:s28+$0xFFFFFEB0] =	vst.add.f32.msk $0xffff, v4  }
0x8c: {  	[tilespmem:s28+$0xFFFFFFB0] =	vst.add.f32.msk $0xffff, v5  }
0x8d: {  	v3 =	vld [tilespmem:s29+$0x830]  }
0x8e: {  	[tilespmem:s28+$0xFFFFFF50] =	vst.add.f32.msk $0xffff, v0  }
0x8f: {  	v0 =	vld [tilespmem:s30+$0x850]  }
0x90: {  	v4 =	vld [tilespmem:s22+$0x830]  }
0x91: {  	v5 =	vld [tilespmem:s11+$0x830]  }
0x92: {  	[tilespmem:s28+$0xFFFFFE40] =	vst.add.f32.msk $0xffff, v3  }
0x93: {  	v3 =	vld [tilespmem:s29+$0x840]  }
0x94: {  	[tilespmem:s28+$0xFFFFFF60] =	vst.add.f32.msk $0xffff, v0  }
0x95: {  	v0 =	vld [tilespmem:s30+$0x860]  }
0x96: {  	[tilespmem:s28+$0xFFFFFEC0] =	vst.add.f32.msk $0xffff, v4  }
0x97: {  	[tilespmem:s28+$0xFFFFFFC0] =	vst.add.f32.msk $0xffff, v5  }
0x98: {  	v4 =	vld [tilespmem:s22+$0x840]  }
0x99: {  	v5 =	vld [tilespmem:s11+$0x840]  }
0x9a: {  	[tilespmem:s28+$0xFFFFFF70] =	vst.add.f32.msk $0xffff, v0  }
0x9b: {  	v0 =	vld [tilespmem:s30+$0x870]  }
0x9c: {  	[tilespmem:s28+$0xFFFFFE50] =	vst.add.f32.msk $0xffff, v3  }
0x9d: {  	[tilespmem:s28+$0xFFFFFED0] =	vst.add.f32.msk $0xffff, v4  }
0x9e: {  	[tilespmem:s28+$0xFFFFFFD0] =	vst.add.f32.msk $0xffff, v5  }
0x9f: {  	v3 =	vld [tilespmem:s29+$0x850]  }
0xa0: {  	[tilespmem:s28+$0xFFFFFF80] =	vst.add.f32.msk $0xffff, v0  }
0xa1: {  	v0 =	vld [tilespmem:s22+$0x850]  }
0xa2: {  	v4 =	vld [tilespmem:s11+$0x850]  }
0xa3: {  	[tilespmem:s12+$0xFFFFFF00] =	vst.add.f32.msk $0xffff, v1  }
0xa4: {  	[tilespmem:s28+$0xFFFFFE60] =	vst.add.f32.msk $0xffff, v3  }
0xa5: {  	v1 =	vld [tilespmem:s29+$0x860]  }
0xa6: {  	[tilespmem:s28+$0xFFFFFEE0] =	vst.add.f32.msk $0xffff, v0  }
0xa7: {  	[tilespmem:s28+$0xFFFFFFE0] =	vst.add.f32.msk $0xffff, v4  }
0xa8: {  	v3 =	vld [tilespmem:s22+$0x860]  }
0xa9: {  	v4 =	vld [tilespmem:s11+$0x860]  }
.Ltmp0:
0xaa: {  	[tilespmem:s28+$0xFFFFFE70] =	vst.add.f32.msk $0xffff, v1;
	(pc) =	sbr.rel @p1 .LBB2_3-.Ltmp0, $4  }
0xab: {  	v0 =	vld [tilespmem:s29+$0x870]  }
0xac: {  	[tilespmem:s12+$0x0] =	vst.add.f32.msk $0xffff, v2;
	s12 =	smov.u32 s28  }
0xad: {  	[tilespmem:s28+$0xFFFFFEF0] =	vst.add.f32.msk $0xffff, v3  }
0xae: {  	s9 =	sadd.s32 $0x200, s9;
	[tilespmem:s28+$0xFFFFFFF0] =	vst.add.f32.msk $0xffff, v4  }
0xaf: {  	v1 =	vld [tilespmem:s22+$0x870]  }
0xb0: {  	v2 =	vld [tilespmem:s11+$0x870];
	_ =	sdelay $0x2  }
0xb1: {  	s9 =	sshll.u32 s10, $0x12;
	[tilespmem:s12+$0xFFFFFE80] =	vst.add.f32.msk $0xffff, v0  }
0xb2: {  	s11 =	sor.u32 s6, s9;
	[tilespmem:s12+$0xFFFFFF00] =	vst.add.f32.msk $0xffff, v1  }
0xb3: {  	s3 =	simm.s32 $0x2800;
	s9 =	sadd.s32 s14, s11;
	[tilespmem:s12+$0x0] =	vst.add.f32.msk $0xffff, v2  }
0xb4: {  	[hbm4b:s9+s4] =	stream.linear.scatter [tilespmem:s3], [sflag:$0x2], $0x2000, $0x38;
	[tilespmem:$0x12800] =	vst v63  }
0xb5: {  	s31 =	simm.s32 $0x4800;
	s30 =	sadd.s32 s11, s13;
	s9 =	simm.s32 @!p0 $0x2  }
0xb6: {  	[hbm4b:s30+s4] =	stream.linear.scatter [tilespmem:s31], [sflag:$0x2], $0x2000, $0x38;
	[tilespmem:$0x12800] =	vst v63  }
0xb7: {  	_ =	swait.ge @!p0 [sflag:s9], $0x2000  }
0xb8: {  	[sflag:s9] =	ssyncset.done @!p0 $0x0  }
0xb9: {  	s10 =	sshllo.u32 s10, $0x2;
	[sflag:s9] =	ssyncadd.s32 @!p0 $0xFFFFE000  }
0xba: {  	s3 =	sshll.u32 s10, $0x8;
	_ =	swait.ge @!p0 [sflag:s9], $0x2000  }
0xbb: {  	s12 =	sand.u32 $0x3FFFFF00, s3;
	[sflag:s9] =	ssyncset.done @!p0 $0x0  }
0xbc: {  	s12 =	sor.u32 s5, s12;
	[sflag:s9] =	ssyncadd.s32 @!p0 $0xFFFFE000  }
0xbd: {  	[tilespmem:s23], [sflag:$0x1] =	stream.indirect.gather [hbm4b:s1+s26], $0x80, s12, s26, $0xb8;
	[tilespmem:$0x12800] =	vst v63  }
0xbe: {  	s9 =	sor.u32 $0x80, s12  }
0xbf: {  	[tilespmem:s24], [sflag:$0x1] =	stream.indirect.gather [hbm4b:s1+s26], $0x80, s9, s26, $0xb8;
	[tilespmem:$0x12800] =	vst v63  }
0xc0: {  	_ =	swait.ge [sflag:s7], $0x2000  }
0xc1: {  	[sflag:s7] =	ssyncset.done $0x0  }
0xc2: {  	[sflag:s7] =	ssyncadd.s32 $0xFFFFE000  }
0xc3: {  	_ =	swait.ge [sflag:s7], $0x2000  }
0xc4: {  	s22 =	simm.s32 $0x100;
	[sflag:s7] =	ssyncset.done $0x0  }
0xc5: {  	s25 =	simm.s32 $0x0;
	s9 =	sand.u32 $0x1F00, s22;
	[sflag:s7] =	ssyncadd.s32 $0xFFFFE000  }
0xc6: {  	s28 =	sand.u32 $0x1E00, s25;
	s30 =	simm.s32 $0x80;
	v0 =	vld [tilespmem:s9+$0x800]  }
0xc7: {  	s25 =	sand.u32 $0x1E80, s30;
	v1 =	vld [tilespmem:s28+$0x800]  }
0xc8: {  	s31 =	simm.s32 $0x180;
	v2 =	vld [tilespmem:s25+$0x800]  }
0xc9: {  	s22 =	sand.u32 $0x1F80, s31  }
0xca: {  	s12 =	simm.s32 $0x69F0;
	v3 =	vld [tilespmem:s22+$0x800]  }
0xcb: {  	[tilespmem:s12+$0xFFFFFF10] =	vst.add.f32.msk $0xffff, v0  }
0xcc: {  	[tilespmem:s12+$0xFFFFFE10] =	vst.add.f32.msk $0xffff, v1  }
0xcd: {  	[tilespmem:s12+$0xFFFFFE90] =	vst.add.f32.msk $0xffff, v2  }
0xce: {  	v0 =	vld [tilespmem:s9+$0x810]  }
0xcf: {  	v1 =	vld [tilespmem:s28+$0x810]  }
0xd0: {  	v2 =	vld [tilespmem:s25+$0x810]  }
0xd1: {  	[tilespmem:s12+$0xFFFFFF90] =	vst.add.f32.msk $0xffff, v3  }
0xd2: {  	v3 =	vld [tilespmem:s22+$0x810]  }
0xd3: {  	[tilespmem:s12+$0xFFFFFF20] =	vst.add.f32.msk $0xffff, v0  }
0xd4: {  	[tilespmem:s12+$0xFFFFFE20] =	vst.add.f32.msk $0xffff, v1  }
0xd5: {  	[tilespmem:s12+$0xFFFFFEA0] =	vst.add.f32.msk $0xffff, v2  }
0xd6: {  	v0 =	vld [tilespmem:s9+$0x820]  }
0xd7: {  	v1 =	vld [tilespmem:s28+$0x820]  }
0xd8: {  	v2 =	vld [tilespmem:s25+$0x820]  }
0xd9: {  	[tilespmem:s12+$0xFFFFFFA0] =	vst.add.f32.msk $0xffff, v3  }
0xda: {  	v3 =	vld [tilespmem:s22+$0x820]  }
0xdb: {  	[tilespmem:s12+$0xFFFFFF30] =	vst.add.f32.msk $0xffff, v0  }
0xdc: {  	[tilespmem:s12+$0xFFFFFE30] =	vst.add.f32.msk $0xffff, v1  }
0xdd: {  	[tilespmem:s12+$0xFFFFFEB0] =	vst.add.f32.msk $0xffff, v2  }
0xde: {  	v0 =	vld [tilespmem:s9+$0x830]  }
0xdf: {  	v1 =	vld [tilespmem:s28+$0x830]  }
0xe0: {  	[tilespmem:s12+$0xFFFFFFB0] =	vst.add.f32.msk $0xffff, v3  }
0xe1: {  	v2 =	vld [tilespmem:s25+$0x830]  }
0xe2: {  	v3 =	vld [tilespmem:s22+$0x830]  }
0xe3: {  	[tilespmem:s12+$0xFFFFFF40] =	vst.add.f32.msk $0xffff, v0  }
0xe4: {  	[tilespmem:s12+$0xFFFFFE40] =	vst.add.f32.msk $0xffff, v1  }
0xe5: {  	v0 =	vld [tilespmem:s9+$0x840]  }
0xe6: {  	[tilespmem:s12+$0xFFFFFEC0] =	vst.add.f32.msk $0xffff, v2  }
0xe7: {  	[tilespmem:s12+$0xFFFFFFC0] =	vst.add.f32.msk $0xffff, v3  }
0xe8: {  	v1 =	vld [tilespmem:s28+$0x840]  }
0xe9: {  	v2 =	vld [tilespmem:s25+$0x840]  }
0xea: {  	[tilespmem:s12+$0xFFFFFF50] =	vst.add.f32.msk $0xffff, v0  }
0xeb: {  	v0 =	vld [tilespmem:s9+$0x850]  }
0xec: {  	v3 =	vld [tilespmem:s22+$0x840]  }
0xed: {  	[tilespmem:s12+$0xFFFFFE50] =	vst.add.f32.msk $0xffff, v1  }
0xee: {  	[tilespmem:s12+$0xFFFFFED0] =	vst.add.f32.msk $0xffff, v2  }
0xef: {  	v1 =	vld [tilespmem:s25+$0x850]  }
0xf0: {  	[tilespmem:s12+$0xFFFFFF60] =	vst.add.f32.msk $0xffff, v0  }
0xf1: {  	v0 =	vld [tilespmem:s9+$0x860]  }
0xf2: {  	[tilespmem:s12+$0xFFFFFFD0] =	vst.add.f32.msk $0xffff, v3  }
0xf3: {  	v2 =	vld [tilespmem:s22+$0x850];
	_ =	sdelay $0x1  }
0xf4: {  	[tilespmem:s12+$0xFFFFFEE0] =	vst.add.f32.msk $0xffff, v1  }
0xf5: {  	[tilespmem:s12+$0xFFFFFF70] =	vst.add.f32.msk $0xffff, v0  }
0xf6: {  	v0 =	vld [tilespmem:s28+$0x850]  }
0xf7: {  	[tilespmem:s12+$0xFFFFFFE0] =	vst.add.f32.msk $0xffff, v2  }
0xf8: {  	v1 =	vld [tilespmem:s25+$0x860]  }
0xf9: {  	v2 =	vld [tilespmem:s22+$0x860]  }
0xfa: {  	v3 =	vld [tilespmem:s9+$0x870]  }
0xfb: {  	[tilespmem:s12+$0xFFFFFE60] =	vst.add.f32.msk $0xffff, v0  }
0xfc: {  	v0 =	vld [tilespmem:s28+$0x860];
	_ =	sdelay $0x1  }
0xfd: {  	[tilespmem:s12+$0xFFFFFEF0] =	vst.add.f32.msk $0xffff, v1  }
0xfe: {  	[tilespmem:s12+$0xFFFFFFF0] =	vst.add.f32.msk $0xffff, v2  }
0xff: {  	[tilespmem:s12+$0xFFFFFF80] =	vst.add.f32.msk $0xffff, v3  }
0x100: {  	[tilespmem:s12+$0xFFFFFE70] =	vst.add.f32.msk $0xffff, v0  }
0x101: {  	s29 =	simm.s32 $0x69F0;
	s9 =	simm.s32 $0x0;
	v0 =	vld [tilespmem:s28+$0x870];
	s28 =	simm.s32 $0x380  }
.LBB2_5:
0x102: {  	s3 =	sadd.s32 $0xFFFFFF00, s28;
	s30 =	sadd.s32 $0xFFFFFF80, s28;
	s9 =	sadd.s32 $0x4, s9;
	v1 =	vld [tilespmem:s25+$0x870]  }
0x103: {  	s25 =	sadd.s32 $0xFFFFFE80, s28;
	s31 =	sand.u32 $0x1F00, s30;
	p1 =	slt.u32 s9, $0x7C;
	v2 =	vld [tilespmem:s22+$0x870]  }
0x104: {  	s30 =	sand.u32 $0x1E00, s25;
	s25 =	sand.u32 $0x1E80, s3;
	s22 =	sand.u32 $0x1F80, s28;
	v3 =	vld [tilespmem:s31+$0x800]  }
0x105: {  	v4 =	vld [tilespmem:s30+$0x800]  }
0x106: {  	v5 =	vld [tilespmem:s25+$0x800]  }
0x107: {  	v6 =	vld [tilespmem:s22+$0x800]  }
0x108: {  	s29 =	sadd.s32 $0x200, s29;
	[tilespmem:s12+$0xFFFFFE80] =	vst.add.f32.msk $0xffff, v0  }
0x109: {  	[tilespmem:s29+$0xFFFFFF10] =	vst.add.f32.msk $0xffff, v3  }
0x10a: {  	v0 =	vld [tilespmem:s31+$0x810]  }
0x10b: {  	[tilespmem:s29+$0xFFFFFE10] =	vst.add.f32.msk $0xffff, v4  }
0x10c: {  	[tilespmem:s29+$0xFFFFFE90] =	vst.add.f32.msk $0xffff, v5  }
0x10d: {  	[tilespmem:s29+$0xFFFFFF90] =	vst.add.f32.msk $0xffff, v6  }
0x10e: {  	v3 =	vld [tilespmem:s30+$0x810]  }
0x10f: {  	[tilespmem:s29+$0xFFFFFF20] =	vst.add.f32.msk $0xffff, v0  }
0x110: {  	v0 =	vld [tilespmem:s31+$0x820]  }
0x111: {  	v4 =	vld [tilespmem:s25+$0x810]  }
0x112: {  	v5 =	vld [tilespmem:s22+$0x810]  }
0x113: {  	[tilespmem:s29+$0xFFFFFE20] =	vst.add.f32.msk $0xffff, v3  }
0x114: {  	v3 =	vld [tilespmem:s30+$0x820]  }
0x115: {  	[tilespmem:s29+$0xFFFFFF30] =	vst.add.f32.msk $0xffff, v0  }
0x116: {  	v0 =	vld [tilespmem:s31+$0x830]  }
0x117: {  	[tilespmem:s29+$0xFFFFFEA0] =	vst.add.f32.msk $0xffff, v4  }
0x118: {  	[tilespmem:s29+$0xFFFFFFA0] =	vst.add.f32.msk $0xffff, v5  }
0x119: {  	v4 =	vld [tilespmem:s25+$0x820]  }
0x11a: {  	v5 =	vld [tilespmem:s22+$0x820]  }
0x11b: {  	[tilespmem:s29+$0xFFFFFF40] =	vst.add.f32.msk $0xffff, v0  }
0x11c: {  	v0 =	vld [tilespmem:s31+$0x840]  }
0x11d: {  	[tilespmem:s29+$0xFFFFFE30] =	vst.add.f32.msk $0xffff, v3  }
0x11e: {  	[tilespmem:s29+$0xFFFFFEB0] =	vst.add.f32.msk $0xffff, v4  }
0x11f: {  	[tilespmem:s29+$0xFFFFFFB0] =	vst.add.f32.msk $0xffff, v5  }
0x120: {  	v3 =	vld [tilespmem:s30+$0x830]  }
0x121: {  	[tilespmem:s29+$0xFFFFFF50] =	vst.add.f32.msk $0xffff, v0  }
0x122: {  	v0 =	vld [tilespmem:s31+$0x850]  }
0x123: {  	v4 =	vld [tilespmem:s25+$0x830]  }
0x124: {  	v5 =	vld [tilespmem:s22+$0x830]  }
0x125: {  	[tilespmem:s29+$0xFFFFFE40] =	vst.add.f32.msk $0xffff, v3  }
0x126: {  	v3 =	vld [tilespmem:s30+$0x840]  }
0x127: {  	[tilespmem:s29+$0xFFFFFF60] =	vst.add.f32.msk $0xffff, v0  }
0x128: {  	v0 =	vld [tilespmem:s31+$0x860]  }
0x129: {  	[tilespmem:s29+$0xFFFFFEC0] =	vst.add.f32.msk $0xffff, v4  }
0x12a: {  	[tilespmem:s29+$0xFFFFFFC0] =	vst.add.f32.msk $0xffff, v5  }
0x12b: {  	v4 =	vld [tilespmem:s25+$0x840]  }
0x12c: {  	v5 =	vld [tilespmem:s22+$0x840]  }
0x12d: {  	[tilespmem:s29+$0xFFFFFF70] =	vst.add.f32.msk $0xffff, v0  }
0x12e: {  	v0 =	vld [tilespmem:s31+$0x870]  }
0x12f: {  	[tilespmem:s29+$0xFFFFFE50] =	vst.add.f32.msk $0xffff, v3  }
0x130: {  	[tilespmem:s29+$0xFFFFFED0] =	vst.add.f32.msk $0xffff, v4  }
0x131: {  	[tilespmem:s29+$0xFFFFFFD0] =	vst.add.f32.msk $0xffff, v5  }
0x132: {  	v3 =	vld [tilespmem:s30+$0x850]  }
0x133: {  	[tilespmem:s29+$0xFFFFFF80] =	vst.add.f32.msk $0xffff, v0  }
0x134: {  	v0 =	vld [tilespmem:s25+$0x850]  }
0x135: {  	v4 =	vld [tilespmem:s22+$0x850]  }
0x136: {  	[tilespmem:s12+$0xFFFFFF00] =	vst.add.f32.msk $0xffff, v1  }
0x137: {  	[tilespmem:s29+$0xFFFFFE60] =	vst.add.f32.msk $0xffff, v3  }
0x138: {  	v1 =	vld [tilespmem:s30+$0x860]  }
0x139: {  	[tilespmem:s29+$0xFFFFFEE0] =	vst.add.f32.msk $0xffff, v0  }
0x13a: {  	[tilespmem:s29+$0xFFFFFFE0] =	vst.add.f32.msk $0xffff, v4  }
0x13b: {  	v3 =	vld [tilespmem:s25+$0x860]  }
0x13c: {  	v4 =	vld [tilespmem:s22+$0x860]  }
.Ltmp1:
0x13d: {  	[tilespmem:s29+$0xFFFFFE70] =	vst.add.f32.msk $0xffff, v1;
	(pc) =	sbr.rel @p1 .LBB2_5-.Ltmp1, $4  }
0x13e: {  	v0 =	vld [tilespmem:s30+$0x870]  }
0x13f: {  	[tilespmem:s12+$0x0] =	vst.add.f32.msk $0xffff, v2;
	s12 =	smov.u32 s29  }
0x140: {  	[tilespmem:s29+$0xFFFFFEF0] =	vst.add.f32.msk $0xffff, v3  }
0x141: {  	s28 =	sadd.s32 $0x200, s28;
	[tilespmem:s29+$0xFFFFFFF0] =	vst.add.f32.msk $0xffff, v4  }
0x142: {  	v1 =	vld [tilespmem:s25+$0x870]  }
0x143: {  	v2 =	vld [tilespmem:s22+$0x870];
	_ =	sdelay $0x2  }
0x144: {  	[tilespmem:s12+$0xFFFFFE80] =	vst.add.f32.msk $0xffff, v0  }
0x145: {  	[tilespmem:s12+$0xFFFFFF00] =	vst.add.f32.msk $0xffff, v1  }
0x146: {  	[tilespmem:s12+$0x0] =	vst.add.f32.msk $0xffff, v2  }
0x147: {  	s3 =	rddreg [dreg:$0xa]  }
0x148: {  	s9 =	simm.s32 $0x6800;
	s3 =	sadd.s32 s11, s3  }
0x149: {  	[hbm4b:s3+s4] =	stream.linear.scatter [tilespmem:s9], [sflag:$0x2], $0x2000, $0x38;
	[tilespmem:$0x12800] =	vst v63  }
0x14a: {  	s12 =	simm.s32 $0x8800;
	s9 =	sadd.s32 s11, s15;
	s3 =	simm.s32 @p0 $0x2  }
0x14b: {  	[hbm4b:s9+s4] =	stream.linear.scatter [tilespmem:s12], [sflag:$0x2], $0x2000, $0x38;
	[tilespmem:$0x12800] =	vst v63  }
0x14c: {  	_ =	swait.ge @p0 [sflag:s3], $0x2000  }
0x14d: {  	[sflag:s3] =	ssyncset.done @p0 $0x0  }
0x14e: {  	[sflag:s3] =	ssyncadd.s32 @p0 $0xFFFFE000  }
0x14f: {  	_ =	swait.ge @p0 [sflag:s3], $0x2000  }
0x150: {  	[sflag:s3] =	ssyncset.done @p0 $0x0  }
0x151: {  	s9 =	simm.s32 @p0 $0x2800;
	[sflag:s3] =	ssyncadd.s32 @p0 $0xFFFFE000;
	s3 =	simm.s32 @p0 $0x40  }
0x152: {  	[tilespmem:s9], [sflag:$0x1] =	stream.indirect.gather @p0 [hbm4b:s1+s3], $0x80, s16, s3, $0xb8;
	[tilespmem:$0x12800] =	vst v63  }
0x153: {  	s9 =	simm.s32 @p0 $0x4800  }
0x154: {  	[tilespmem:s9], [sflag:$0x1] =	stream.indirect.gather @p0 [hbm4b:s1+s3], $0x80, s17, s3, $0xb8;
	[tilespmem:$0x12800] =	vst v63  }
0x155: {  	_ =	swait.ge [sflag:s7], $0x2000  }
0x156: {  	[sflag:s7] =	ssyncset.done $0x0  }
0x157: {  	[sflag:s7] =	ssyncadd.s32 $0xFFFFE000  }
0x158: {  	_ =	swait.ge [sflag:s7], $0x2000  }
0x159: {  	s22 =	simm.s32 $0x100;
	[sflag:s7] =	ssyncset.done $0x0  }
0x15a: {  	s25 =	simm.s32 $0x0;
	s3 =	sand.u32 $0x1F00, s22;
	[sflag:s7] =	ssyncadd.s32 $0xFFFFE000  }
0x15b: {  	s30 =	simm.s32 $0x80;
	s9 =	sand.u32 $0x1E00, s25;
	v0 =	vld [tilespmem:s3+$0x800]  }
0x15c: {  	s25 =	sand.u32 $0x1E80, s30;
	v1 =	vld [tilespmem:s9+$0x800]  }
0x15d: {  	s31 =	simm.s32 $0x180;
	v2 =	vld [tilespmem:s25+$0x800]  }
0x15e: {  	s22 =	sand.u32 $0x1F80, s31  }
0x15f: {  	s12 =	simm.s32 $0xA9F0;
	v3 =	vld [tilespmem:s22+$0x800]  }
0x160: {  	[tilespmem:s12+$0xFFFFFF10] =	vst.add.f32.msk $0xffff, v0  }
0x161: {  	[tilespmem:s12+$0xFFFFFE10] =	vst.add.f32.msk $0xffff, v1  }
0x162: {  	[tilespmem:s12+$0xFFFFFE90] =	vst.add.f32.msk $0xffff, v2  }
0x163: {  	v0 =	vld [tilespmem:s3+$0x810]  }
0x164: {  	v1 =	vld [tilespmem:s9+$0x810]  }
0x165: {  	v2 =	vld [tilespmem:s25+$0x810]  }
0x166: {  	[tilespmem:s12+$0xFFFFFF90] =	vst.add.f32.msk $0xffff, v3  }
0x167: {  	v3 =	vld [tilespmem:s22+$0x810]  }
0x168: {  	[tilespmem:s12+$0xFFFFFF20] =	vst.add.f32.msk $0xffff, v0  }
0x169: {  	[tilespmem:s12+$0xFFFFFE20] =	vst.add.f32.msk $0xffff, v1  }
0x16a: {  	[tilespmem:s12+$0xFFFFFEA0] =	vst.add.f32.msk $0xffff, v2  }
0x16b: {  	v0 =	vld [tilespmem:s3+$0x820]  }
0x16c: {  	v1 =	vld [tilespmem:s9+$0x820]  }
0x16d: {  	v2 =	vld [tilespmem:s25+$0x820]  }
0x16e: {  	[tilespmem:s12+$0xFFFFFFA0] =	vst.add.f32.msk $0xffff, v3  }
0x16f: {  	v3 =	vld [tilespmem:s22+$0x820]  }
0x170: {  	[tilespmem:s12+$0xFFFFFF30] =	vst.add.f32.msk $0xffff, v0  }
0x171: {  	[tilespmem:s12+$0xFFFFFE30] =	vst.add.f32.msk $0xffff, v1  }
0x172: {  	[tilespmem:s12+$0xFFFFFEB0] =	vst.add.f32.msk $0xffff, v2  }
0x173: {  	v0 =	vld [tilespmem:s3+$0x830]  }
0x174: {  	v1 =	vld [tilespmem:s9+$0x830]  }
0x175: {  	[tilespmem:s12+$0xFFFFFFB0] =	vst.add.f32.msk $0xffff, v3  }
0x176: {  	v2 =	vld [tilespmem:s25+$0x830]  }
0x177: {  	v3 =	vld [tilespmem:s22+$0x830]  }
0x178: {  	[tilespmem:s12+$0xFFFFFF40] =	vst.add.f32.msk $0xffff, v0  }
0x179: {  	[tilespmem:s12+$0xFFFFFE40] =	vst.add.f32.msk $0xffff, v1  }
0x17a: {  	v0 =	vld [tilespmem:s3+$0x840]  }
0x17b: {  	[tilespmem:s12+$0xFFFFFEC0] =	vst.add.f32.msk $0xffff, v2  }
0x17c: {  	[tilespmem:s12+$0xFFFFFFC0] =	vst.add.f32.msk $0xffff, v3  }
0x17d: {  	v1 =	vld [tilespmem:s9+$0x840]  }
0x17e: {  	v2 =	vld [tilespmem:s25+$0x840]  }
0x17f: {  	[tilespmem:s12+$0xFFFFFF50] =	vst.add.f32.msk $0xffff, v0  }
0x180: {  	v0 =	vld [tilespmem:s3+$0x850]  }
0x181: {  	v3 =	vld [tilespmem:s22+$0x840]  }
0x182: {  	[tilespmem:s12+$0xFFFFFE50] =	vst.add.f32.msk $0xffff, v1  }
0x183: {  	[tilespmem:s12+$0xFFFFFED0] =	vst.add.f32.msk $0xffff, v2  }
0x184: {  	v1 =	vld [tilespmem:s25+$0x850]  }
0x185: {  	[tilespmem:s12+$0xFFFFFF60] =	vst.add.f32.msk $0xffff, v0  }
0x186: {  	v0 =	vld [tilespmem:s3+$0x860]  }
0x187: {  	[tilespmem:s12+$0xFFFFFFD0] =	vst.add.f32.msk $0xffff, v3  }
0x188: {  	v2 =	vld [tilespmem:s22+$0x850];
	_ =	sdelay $0x1  }
0x189: {  	[tilespmem:s12+$0xFFFFFEE0] =	vst.add.f32.msk $0xffff, v1  }
0x18a: {  	[tilespmem:s12+$0xFFFFFF70] =	vst.add.f32.msk $0xffff, v0  }
0x18b: {  	v0 =	vld [tilespmem:s9+$0x850]  }
0x18c: {  	[tilespmem:s12+$0xFFFFFFE0] =	vst.add.f32.msk $0xffff, v2  }
0x18d: {  	v1 =	vld [tilespmem:s25+$0x860]  }
0x18e: {  	v2 =	vld [tilespmem:s22+$0x860]  }
0x18f: {  	v3 =	vld [tilespmem:s3+$0x870]  }
0x190: {  	[tilespmem:s12+$0xFFFFFE60] =	vst.add.f32.msk $0xffff, v0  }
0x191: {  	v0 =	vld [tilespmem:s9+$0x860];
	_ =	sdelay $0x1  }
0x192: {  	[tilespmem:s12+$0xFFFFFEF0] =	vst.add.f32.msk $0xffff, v1  }
0x193: {  	[tilespmem:s12+$0xFFFFFFF0] =	vst.add.f32.msk $0xffff, v2  }
0x194: {  	[tilespmem:s12+$0xFFFFFF80] =	vst.add.f32.msk $0xffff, v3  }
0x195: {  	[tilespmem:s12+$0xFFFFFE70] =	vst.add.f32.msk $0xffff, v0  }
0x196: {  	s28 =	simm.s32 $0x380;
	s29 =	simm.s32 $0xA9F0;
	v0 =	vld [tilespmem:s9+$0x870];
	s9 =	simm.s32 $0x0  }
.LBB2_7:
0x197: {  	s3 =	sadd.s32 $0xFFFFFF00, s28;
	s30 =	sadd.s32 $0xFFFFFF80, s28;
	s9 =	sadd.s32 $0x4, s9;
	v1 =	vld [tilespmem:s25+$0x870]  }
0x198: {  	s25 =	sadd.s32 $0xFFFFFE80, s28;
	s31 =	sand.u32 $0x1F00, s30;
	p1 =	slt.u32 s9, $0x7C;
	v2 =	vld [tilespmem:s22+$0x870]  }
0x199: {  	s30 =	sand.u32 $0x1E00, s25;
	s25 =	sand.u32 $0x1E80, s3;
	s22 =	sand.u32 $0x1F80, s28;
	v3 =	vld [tilespmem:s31+$0x800]  }
0x19a: {  	v4 =	vld [tilespmem:s30+$0x800]  }
0x19b: {  	v5 =	vld [tilespmem:s25+$0x800]  }
0x19c: {  	v6 =	vld [tilespmem:s22+$0x800]  }
0x19d: {  	s29 =	sadd.s32 $0x200, s29;
	[tilespmem:s12+$0xFFFFFE80] =	vst.add.f32.msk $0xffff, v0  }
0x19e: {  	[tilespmem:s29+$0xFFFFFF10] =	vst.add.f32.msk $0xffff, v3  }
0x19f: {  	v0 =	vld [tilespmem:s31+$0x810]  }
0x1a0: {  	[tilespmem:s29+$0xFFFFFE10] =	vst.add.f32.msk $0xffff, v4  }
0x1a1: {  	[tilespmem:s29+$0xFFFFFE90] =	vst.add.f32.msk $0xffff, v5  }
0x1a2: {  	[tilespmem:s29+$0xFFFFFF90] =	vst.add.f32.msk $0xffff, v6  }
0x1a3: {  	v3 =	vld [tilespmem:s30+$0x810]  }
0x1a4: {  	[tilespmem:s29+$0xFFFFFF20] =	vst.add.f32.msk $0xffff, v0  }
0x1a5: {  	v0 =	vld [tilespmem:s31+$0x820]  }
0x1a6: {  	v4 =	vld [tilespmem:s25+$0x810]  }
0x1a7: {  	v5 =	vld [tilespmem:s22+$0x810]  }
0x1a8: {  	[tilespmem:s29+$0xFFFFFE20] =	vst.add.f32.msk $0xffff, v3  }
0x1a9: {  	v3 =	vld [tilespmem:s30+$0x820]  }
0x1aa: {  	[tilespmem:s29+$0xFFFFFF30] =	vst.add.f32.msk $0xffff, v0  }
0x1ab: {  	v0 =	vld [tilespmem:s31+$0x830]  }
0x1ac: {  	[tilespmem:s29+$0xFFFFFEA0] =	vst.add.f32.msk $0xffff, v4  }
0x1ad: {  	[tilespmem:s29+$0xFFFFFFA0] =	vst.add.f32.msk $0xffff, v5  }
0x1ae: {  	v4 =	vld [tilespmem:s25+$0x820]  }
0x1af: {  	v5 =	vld [tilespmem:s22+$0x820]  }
0x1b0: {  	[tilespmem:s29+$0xFFFFFF40] =	vst.add.f32.msk $0xffff, v0  }
0x1b1: {  	v0 =	vld [tilespmem:s31+$0x840]  }
0x1b2: {  	[tilespmem:s29+$0xFFFFFE30] =	vst.add.f32.msk $0xffff, v3  }
0x1b3: {  	[tilespmem:s29+$0xFFFFFEB0] =	vst.add.f32.msk $0xffff, v4  }
0x1b4: {  	[tilespmem:s29+$0xFFFFFFB0] =	vst.add.f32.msk $0xffff, v5  }
0x1b5: {  	v3 =	vld [tilespmem:s30+$0x830]  }
0x1b6: {  	[tilespmem:s29+$0xFFFFFF50] =	vst.add.f32.msk $0xffff, v0  }
0x1b7: {  	v0 =	vld [tilespmem:s31+$0x850]  }
0x1b8: {  	v4 =	vld [tilespmem:s25+$0x830]  }
0x1b9: {  	v5 =	vld [tilespmem:s22+$0x830]  }
0x1ba: {  	[tilespmem:s29+$0xFFFFFE40] =	vst.add.f32.msk $0xffff, v3  }
0x1bb: {  	v3 =	vld [tilespmem:s30+$0x840]  }
0x1bc: {  	[tilespmem:s29+$0xFFFFFF60] =	vst.add.f32.msk $0xffff, v0  }
0x1bd: {  	v0 =	vld [tilespmem:s31+$0x860]  }
0x1be: {  	[tilespmem:s29+$0xFFFFFEC0] =	vst.add.f32.msk $0xffff, v4  }
0x1bf: {  	[tilespmem:s29+$0xFFFFFFC0] =	vst.add.f32.msk $0xffff, v5  }
0x1c0: {  	v4 =	vld [tilespmem:s25+$0x840]  }
0x1c1: {  	v5 =	vld [tilespmem:s22+$0x840]  }
0x1c2: {  	[tilespmem:s29+$0xFFFFFF70] =	vst.add.f32.msk $0xffff, v0  }
0x1c3: {  	v0 =	vld [tilespmem:s31+$0x870]  }
0x1c4: {  	[tilespmem:s29+$0xFFFFFE50] =	vst.add.f32.msk $0xffff, v3  }
0x1c5: {  	[tilespmem:s29+$0xFFFFFED0] =	vst.add.f32.msk $0xffff, v4  }
0x1c6: {  	[tilespmem:s29+$0xFFFFFFD0] =	vst.add.f32.msk $0xffff, v5  }
0x1c7: {  	v3 =	vld [tilespmem:s30+$0x850]  }
0x1c8: {  	[tilespmem:s29+$0xFFFFFF80] =	vst.add.f32.msk $0xffff, v0  }
0x1c9: {  	v0 =	vld [tilespmem:s25+$0x850]  }
0x1ca: {  	v4 =	vld [tilespmem:s22+$0x850]  }
0x1cb: {  	[tilespmem:s12+$0xFFFFFF00] =	vst.add.f32.msk $0xffff, v1  }
0x1cc: {  	[tilespmem:s29+$0xFFFFFE60] =	vst.add.f32.msk $0xffff, v3  }
0x1cd: {  	v1 =	vld [tilespmem:s30+$0x860]  }
0x1ce: {  	[tilespmem:s29+$0xFFFFFEE0] =	vst.add.f32.msk $0xffff, v0  }
0x1cf: {  	[tilespmem:s29+$0xFFFFFFE0] =	vst.add.f32.msk $0xffff, v4  }
0x1d0: {  	v3 =	vld [tilespmem:s25+$0x860]  }
0x1d1: {  	v4 =	vld [tilespmem:s22+$0x860]  }
.Ltmp2:
0x1d2: {  	[tilespmem:s29+$0xFFFFFE70] =	vst.add.f32.msk $0xffff, v1;
	(pc) =	sbr.rel @p1 .LBB2_7-.Ltmp2, $4  }
0x1d3: {  	v0 =	vld [tilespmem:s30+$0x870]  }
0x1d4: {  	[tilespmem:s12+$0x0] =	vst.add.f32.msk $0xffff, v2;
	s12 =	smov.u32 s29  }
0x1d5: {  	[tilespmem:s29+$0xFFFFFEF0] =	vst.add.f32.msk $0xffff, v3  }
0x1d6: {  	s28 =	sadd.s32 $0x200, s28;
	[tilespmem:s29+$0xFFFFFFF0] =	vst.add.f32.msk $0xffff, v4  }
0x1d7: {  	v1 =	vld [tilespmem:s25+$0x870]  }
0x1d8: {  	v2 =	vld [tilespmem:s22+$0x870];
	_ =	sdelay $0x2  }
0x1d9: {  	[tilespmem:s12+$0xFFFFFE80] =	vst.add.f32.msk $0xffff, v0  }
0x1da: {  	[tilespmem:s12+$0xFFFFFF00] =	vst.add.f32.msk $0xffff, v1  }
0x1db: {  	s3 =	sadd.s32 s11, s18;
	[tilespmem:s12+$0x0] =	vst.add.f32.msk $0xffff, v2  }
0x1dc: {  	[hbm4b:s3+s4] =	stream.linear.scatter [tilespmem:s2], [sflag:$0x2], $0x2000, $0x38;
	[tilespmem:$0x12800] =	vst v63  }
0x1dd: {  	s22 =	sadd.s32 s11, s19;
	s3 =	simm.s32 @p0 $0x2  }
0x1de: {  	[hbm4b:s22+s4] =	stream.linear.scatter [tilespmem:s0], [sflag:$0x2], $0x2000, $0x38;
	[tilespmem:$0x12800] =	vst v63  }
0x1df: {  	_ =	swait.ge @p0 [sflag:s3], $0x2000  }
0x1e0: {  	[sflag:s3] =	ssyncset.done @p0 $0x0  }
0x1e1: {  	[sflag:s3] =	ssyncadd.s32 @p0 $0xFFFFE000  }
0x1e2: {  	_ =	swait.ge @p0 [sflag:s3], $0x2000  }
0x1e3: {  	[sflag:s3] =	ssyncset.done @p0 $0x0  }
0x1e4: {  	s9 =	simm.s32 @p0 $0x6800;
	[sflag:s3] =	ssyncadd.s32 @p0 $0xFFFFE000;
	s3 =	simm.s32 @p0 $0x40  }
0x1e5: {  	[tilespmem:s9], [sflag:$0x1] =	stream.indirect.gather @p0 [hbm4b:s1+s3], $0x80, s20, s3, $0xb8;
	[tilespmem:$0x12800] =	vst v63  }
0x1e6: {  	s9 =	simm.s32 @p0 $0x8800  }
0x1e7: {  	[tilespmem:s9], [sflag:$0x1] =	stream.indirect.gather @p0 [hbm4b:s1+s3], $0x80, s21, s3, $0xb8;
	[tilespmem:$0x12800] =	vst v63  }
0x1e8: {  	_ =	swait.ge [sflag:s7], $0x2000  }
0x1e9: {  	[sflag:s7] =	ssyncset.done $0x0  }
0x1ea: {  	[sflag:s7] =	ssyncadd.s32 $0xFFFFE000  }
0x1eb: {  	_ =	swait.ge [sflag:s7], $0x2000  }
0x1ec: {  	s25 =	simm.s32 $0x100;
	[sflag:s7] =	ssyncset.done $0x0  }
0x1ed: {  	s29 =	simm.s32 $0x0;
	s3 =	sand.u32 $0x1F00, s25;
	[sflag:s7] =	ssyncadd.s32 $0xFFFFE000  }
0x1ee: {  	s30 =	simm.s32 $0x80;
	s9 =	sand.u32 $0x1E00, s29;
	v0 =	vld [tilespmem:s3+$0x800]  }
0x1ef: {  	s22 =	sand.u32 $0x1E80, s30;
	v1 =	vld [tilespmem:s9+$0x800]  }
0x1f0: {  	s31 =	simm.s32 $0x180;
	v2 =	vld [tilespmem:s22+$0x800]  }
0x1f1: {  	s12 =	sand.u32 $0x1F80, s31  }
0x1f2: {  	s11 =	simm.s32 $0xE9F0;
	v3 =	vld [tilespmem:s12+$0x800]  }
0x1f3: {  	[tilespmem:s11+$0xFFFFFF10] =	vst.add.f32.msk $0xffff, v0  }
0x1f4: {  	[tilespmem:s11+$0xFFFFFE10] =	vst.add.f32.msk $0xffff, v1  }
0x1f5: {  	[tilespmem:s11+$0xFFFFFE90] =	vst.add.f32.msk $0xffff, v2  }
0x1f6: {  	v0 =	vld [tilespmem:s3+$0x810]  }
0x1f7: {  	v1 =	vld [tilespmem:s9+$0x810]  }
0x1f8: {  	v2 =	vld [tilespmem:s22+$0x810]  }
0x1f9: {  	[tilespmem:s11+$0xFFFFFF90] =	vst.add.f32.msk $0xffff, v3  }
0x1fa: {  	v3 =	vld [tilespmem:s12+$0x810]  }
0x1fb: {  	[tilespmem:s11+$0xFFFFFF20] =	vst.add.f32.msk $0xffff, v0  }
0x1fc: {  	[tilespmem:s11+$0xFFFFFE20] =	vst.add.f32.msk $0xffff, v1  }
0x1fd: {  	[tilespmem:s11+$0xFFFFFEA0] =	vst.add.f32.msk $0xffff, v2  }
0x1fe: {  	v0 =	vld [tilespmem:s3+$0x820]  }
0x1ff: {  	v1 =	vld [tilespmem:s9+$0x820]  }
0x200: {  	v2 =	vld [tilespmem:s22+$0x820]  }
0x201: {  	[tilespmem:s11+$0xFFFFFFA0] =	vst.add.f32.msk $0xffff, v3  }
0x202: {  	v3 =	vld [tilespmem:s12+$0x820]  }
0x203: {  	[tilespmem:s11+$0xFFFFFF30] =	vst.add.f32.msk $0xffff, v0  }
0x204: {  	[tilespmem:s11+$0xFFFFFE30] =	vst.add.f32.msk $0xffff, v1  }
0x205: {  	[tilespmem:s11+$0xFFFFFEB0] =	vst.add.f32.msk $0xffff, v2  }
0x206: {  	v0 =	vld [tilespmem:s3+$0x830]  }
0x207: {  	v1 =	vld [tilespmem:s9+$0x830]  }
0x208: {  	[tilespmem:s11+$0xFFFFFFB0] =	vst.add.f32.msk $0xffff, v3  }
0x209: {  	v2 =	vld [tilespmem:s22+$0x830]  }
0x20a: {  	v3 =	vld [tilespmem:s12+$0x830]  }
0x20b: {  	[tilespmem:s11+$0xFFFFFF40] =	vst.add.f32.msk $0xffff, v0  }
0x20c: {  	[tilespmem:s11+$0xFFFFFE40] =	vst.add.f32.msk $0xffff, v1  }
0x20d: {  	v0 =	vld [tilespmem:s3+$0x840]  }
0x20e: {  	[tilespmem:s11+$0xFFFFFEC0] =	vst.add.f32.msk $0xffff, v2  }
0x20f: {  	[tilespmem:s11+$0xFFFFFFC0] =	vst.add.f32.msk $0xffff, v3  }
0x210: {  	v1 =	vld [tilespmem:s9+$0x840]  }
0x211: {  	v2 =	vld [tilespmem:s22+$0x840]  }
0x212: {  	[tilespmem:s11+$0xFFFFFF50] =	vst.add.f32.msk $0xffff, v0  }
0x213: {  	v0 =	vld [tilespmem:s3+$0x850]  }
0x214: {  	v3 =	vld [tilespmem:s12+$0x840]  }
0x215: {  	[tilespmem:s11+$0xFFFFFE50] =	vst.add.f32.msk $0xffff, v1  }
0x216: {  	[tilespmem:s11+$0xFFFFFED0] =	vst.add.f32.msk $0xffff, v2  }
0x217: {  	v1 =	vld [tilespmem:s22+$0x850]  }
0x218: {  	[tilespmem:s11+$0xFFFFFF60] =	vst.add.f32.msk $0xffff, v0  }
0x219: {  	v0 =	vld [tilespmem:s3+$0x860]  }
0x21a: {  	[tilespmem:s11+$0xFFFFFFD0] =	vst.add.f32.msk $0xffff, v3  }
0x21b: {  	v2 =	vld [tilespmem:s12+$0x850];
	_ =	sdelay $0x1  }
0x21c: {  	[tilespmem:s11+$0xFFFFFEE0] =	vst.add.f32.msk $0xffff, v1  }
0x21d: {  	[tilespmem:s11+$0xFFFFFF70] =	vst.add.f32.msk $0xffff, v0  }
0x21e: {  	v0 =	vld [tilespmem:s9+$0x850]  }
0x21f: {  	[tilespmem:s11+$0xFFFFFFE0] =	vst.add.f32.msk $0xffff, v2  }
0x220: {  	v1 =	vld [tilespmem:s22+$0x860]  }
0x221: {  	v2 =	vld [tilespmem:s12+$0x860]  }
0x222: {  	v3 =	vld [tilespmem:s3+$0x870]  }
0x223: {  	[tilespmem:s11+$0xFFFFFE60] =	vst.add.f32.msk $0xffff, v0  }
0x224: {  	v0 =	vld [tilespmem:s9+$0x860];
	_ =	sdelay $0x1  }
0x225: {  	[tilespmem:s11+$0xFFFFFEF0] =	vst.add.f32.msk $0xffff, v1  }
0x226: {  	[tilespmem:s11+$0xFFFFFFF0] =	vst.add.f32.msk $0xffff, v2  }
0x227: {  	[tilespmem:s11+$0xFFFFFF80] =	vst.add.f32.msk $0xffff, v3  }
0x228: {  	[tilespmem:s11+$0xFFFFFE70] =	vst.add.f32.msk $0xffff, v0  }
0x229: {  	s28 =	simm.s32 $0xE9F0;
	s25 =	simm.s32 $0x380;
	v0 =	vld [tilespmem:s9+$0x870];
	s9 =	simm.s32 $0x0  }
.LBB2_9:
0x22a: {  	s3 =	sadd.s32 $0xFFFFFF00, s25;
	s29 =	sadd.s32 $0xFFFFFF80, s25;
	s9 =	sadd.s32 $0x4, s9;
	v1 =	vld [tilespmem:s22+$0x870]  }
0x22b: {  	s22 =	sadd.s32 $0xFFFFFE80, s25;
	s30 =	sand.u32 $0x1F00, s29;
	p1 =	slt.u32 s9, $0x7C;
	v2 =	vld [tilespmem:s12+$0x870]  }
0x22c: {  	s29 =	sand.u32 $0x1E00, s22;
	s22 =	sand.u32 $0x1E80, s3;
	s12 =	sand.u32 $0x1F80, s25;
	v3 =	vld [tilespmem:s30+$0x800]  }
0x22d: {  	v4 =	vld [tilespmem:s29+$0x800]  }
0x22e: {  	v5 =	vld [tilespmem:s22+$0x800]  }
0x22f: {  	v6 =	vld [tilespmem:s12+$0x800]  }
0x230: {  	s28 =	sadd.s32 $0x200, s28;
	[tilespmem:s11+$0xFFFFFE80] =	vst.add.f32.msk $0xffff, v0  }
0x231: {  	[tilespmem:s28+$0xFFFFFF10] =	vst.add.f32.msk $0xffff, v3  }
0x232: {  	v0 =	vld [tilespmem:s30+$0x810]  }
0x233: {  	[tilespmem:s28+$0xFFFFFE10] =	vst.add.f32.msk $0xffff, v4  }
0x234: {  	[tilespmem:s28+$0xFFFFFE90] =	vst.add.f32.msk $0xffff, v5  }
0x235: {  	[tilespmem:s28+$0xFFFFFF90] =	vst.add.f32.msk $0xffff, v6  }
0x236: {  	v3 =	vld [tilespmem:s29+$0x810]  }
0x237: {  	[tilespmem:s28+$0xFFFFFF20] =	vst.add.f32.msk $0xffff, v0  }
0x238: {  	v0 =	vld [tilespmem:s30+$0x820]  }
0x239: {  	v4 =	vld [tilespmem:s22+$0x810]  }
0x23a: {  	v5 =	vld [tilespmem:s12+$0x810]  }
0x23b: {  	[tilespmem:s28+$0xFFFFFE20] =	vst.add.f32.msk $0xffff, v3  }
0x23c: {  	v3 =	vld [tilespmem:s29+$0x820]  }
0x23d: {  	[tilespmem:s28+$0xFFFFFF30] =	vst.add.f32.msk $0xffff, v0  }
0x23e: {  	v0 =	vld [tilespmem:s30+$0x830]  }
0x23f: {  	[tilespmem:s28+$0xFFFFFEA0] =	vst.add.f32.msk $0xffff, v4  }
0x240: {  	[tilespmem:s28+$0xFFFFFFA0] =	vst.add.f32.msk $0xffff, v5  }
0x241: {  	v4 =	vld [tilespmem:s22+$0x820]  }
0x242: {  	v5 =	vld [tilespmem:s12+$0x820]  }
0x243: {  	[tilespmem:s28+$0xFFFFFF40] =	vst.add.f32.msk $0xffff, v0  }
0x244: {  	v0 =	vld [tilespmem:s30+$0x840]  }
0x245: {  	[tilespmem:s28+$0xFFFFFE30] =	vst.add.f32.msk $0xffff, v3  }
0x246: {  	[tilespmem:s28+$0xFFFFFEB0] =	vst.add.f32.msk $0xffff, v4  }
0x247: {  	[tilespmem:s28+$0xFFFFFFB0] =	vst.add.f32.msk $0xffff, v5  }
0x248: {  	v3 =	vld [tilespmem:s29+$0x830]  }
0x249: {  	[tilespmem:s28+$0xFFFFFF50] =	vst.add.f32.msk $0xffff, v0  }
0x24a: {  	v0 =	vld [tilespmem:s30+$0x850]  }
0x24b: {  	v4 =	vld [tilespmem:s22+$0x830]  }
0x24c: {  	v5 =	vld [tilespmem:s12+$0x830]  }
0x24d: {  	[tilespmem:s28+$0xFFFFFE40] =	vst.add.f32.msk $0xffff, v3  }
0x24e: {  	v3 =	vld [tilespmem:s29+$0x840]  }
0x24f: {  	[tilespmem:s28+$0xFFFFFF60] =	vst.add.f32.msk $0xffff, v0  }
0x250: {  	v0 =	vld [tilespmem:s30+$0x860]  }
0x251: {  	[tilespmem:s28+$0xFFFFFEC0] =	vst.add.f32.msk $0xffff, v4  }
0x252: {  	[tilespmem:s28+$0xFFFFFFC0] =	vst.add.f32.msk $0xffff, v5  }
0x253: {  	v4 =	vld [tilespmem:s22+$0x840]  }
0x254: {  	v5 =	vld [tilespmem:s12+$0x840]  }
0x255: {  	[tilespmem:s28+$0xFFFFFF70] =	vst.add.f32.msk $0xffff, v0  }
0x256: {  	v0 =	vld [tilespmem:s30+$0x870]  }
0x257: {  	[tilespmem:s28+$0xFFFFFE50] =	vst.add.f32.msk $0xffff, v3  }
0x258: {  	[tilespmem:s28+$0xFFFFFED0] =	vst.add.f32.msk $0xffff, v4  }
0x259: {  	[tilespmem:s28+$0xFFFFFFD0] =	vst.add.f32.msk $0xffff, v5  }
0x25a: {  	v3 =	vld [tilespmem:s29+$0x850]  }
0x25b: {  	[tilespmem:s28+$0xFFFFFF80] =	vst.add.f32.msk $0xffff, v0  }
0x25c: {  	v0 =	vld [tilespmem:s22+$0x850]  }
0x25d: {  	v4 =	vld [tilespmem:s12+$0x850]  }
0x25e: {  	[tilespmem:s11+$0xFFFFFF00] =	vst.add.f32.msk $0xffff, v1  }
0x25f: {  	[tilespmem:s28+$0xFFFFFE60] =	vst.add.f32.msk $0xffff, v3  }
0x260: {  	v1 =	vld [tilespmem:s29+$0x860]  }
0x261: {  	[tilespmem:s28+$0xFFFFFEE0] =	vst.add.f32.msk $0xffff, v0  }
0x262: {  	[tilespmem:s28+$0xFFFFFFE0] =	vst.add.f32.msk $0xffff, v4  }
0x263: {  	v3 =	vld [tilespmem:s22+$0x860]  }
0x264: {  	v4 =	vld [tilespmem:s12+$0x860]  }
.Ltmp3:
0x265: {  	[tilespmem:s28+$0xFFFFFE70] =	vst.add.f32.msk $0xffff, v1;
	(pc) =	sbr.rel @p1 .LBB2_9-.Ltmp3, $4  }
0x266: {  	v0 =	vld [tilespmem:s29+$0x870]  }
0x267: {  	[tilespmem:s11+$0x0] =	vst.add.f32.msk $0xffff, v2;
	s11 =	smov.u32 s28  }
0x268: {  	[tilespmem:s28+$0xFFFFFEF0] =	vst.add.f32.msk $0xffff, v3  }
0x269: {  	s25 =	sadd.s32 $0x200, s25;
	[tilespmem:s28+$0xFFFFFFF0] =	vst.add.f32.msk $0xffff, v4  }
0x26a: {  	v1 =	vld [tilespmem:s22+$0x870]  }
0x26b: {  	v2 =	vld [tilespmem:s12+$0x870];
	_ =	sdelay $0x2  }
0x26c: {  	s3 =	sshll.u32 s10, $0x10;
	[tilespmem:s11+$0xFFFFFE80] =	vst.add.f32.msk $0xffff, v0  }
0x26d: {  	s3 =	sor.u32 s6, s3;
	[tilespmem:s11+$0xFFFFFF00] =	vst.add.f32.msk $0xffff, v1  }
0x26e: {  	s9 =	sadd.s32 s14, s3;
	[tilespmem:s11+$0x0] =	vst.add.f32.msk $0xffff, v2  }
0x26f: {  	[hbm4b:s9+s4] =	stream.linear.scatter [tilespmem:s23], [sflag:$0x2], $0x2000, $0x38;
	[tilespmem:$0x12800] =	vst v63  }
0x270: {  	s3 =	sadd.s32 s3, s13  }
0x271: {  	[hbm4b:s3+s4] =	stream.linear.scatter [tilespmem:s24], [sflag:$0x2], $0x2000, $0x38;
	[tilespmem:$0x12800] =	vst v63  }
0x272: {  	_ =	swait.ge [sflag:s8], $0x2000  }
.Ltmp4:
0x273: {  	[sflag:s8] =	ssyncset.done $0x0;
	(pc) =	sbr.rel @p0 .LBB2_2-.Ltmp4, $4  }
0x274: {  	[sflag:s8] =	ssyncadd.s32 $0xFFFFE000  }
0x275: {  	_ =	swait.ge [sflag:s8], $0x2000  }
0x276: {  	s10 =	simm.s32 $0x1;
	p1 =	por $0x0, $0x0;
	[sflag:s8] =	ssyncset.done $0x0  }
0x277: {  	s11 =	simm.s32 $0x1A00;
	s9 =	simm.s32 $0x1800;
	[sflag:s8] =	ssyncadd.s32 $0xFFFFE000  }
0x278: {  	_ =	swait.ge [sflag:s8], $0x2000  }
0x279: {  	[sflag:s8] =	ssyncset.done $0x0  }
0x27a: {  	[sflag:s8] =	ssyncadd.s32 $0xFFFFE000  }
0x27b: {  	_ =	swait.ge [sflag:s8], $0x2000  }
0x27c: {  	[sflag:s8] =	ssyncset.done $0x0  }
0x27d: {  	[sflag:s8] =	ssyncadd.s32 $0xFFFFE000  }
0x27e: {  	_ =	swait.ge [sflag:s8], $0x2000  }
0x27f: {  	[sflag:s8] =	ssyncset.done $0x0  }
0x280: {  	[sflag:s8] =	ssyncadd.s32 $0xFFFFE000  }
0x281: {  	_ =	swait.ge [sflag:s8], $0x2000  }
0x282: {  	[sflag:s8] =	ssyncset.done $0x0  }
0x283: {  	[sflag:s8] =	ssyncadd.s32 $0xFFFFE000  }
0x284: {  	_ =	swait.ge [sflag:s8], $0x2000  }
0x285: {  	[sflag:s8] =	ssyncset.done $0x0  }
0x286: {  	[sflag:s8] =	ssyncadd.s32 $0xFFFFE000  }
0x287: {  	_ =	swait.ge [sflag:s8], $0x2000  }
0x288: {  	s9 =	rddreg [dreg:$0xc]  }
0x289: {  	s3 =	rddreg [dreg:$0xb];
	s9 =	sadd.s32 $0x1, s9  }
0x28a: {  	p0 =	sne.s32 s9, s3  }
.Ltmp5:
0x28b: {  	_ = 	snop;
	(pc) =	sbr.rel @p0 .LBB2_1-.Ltmp5, $3  }
0x28c: {  	_ =	sdelay $0x1  }
0x28d: {  	[sflag:s8] =	ssyncset.done $0x0  }
0x28e: {  	[sflag:s8] =	ssyncadd.s32 $0xFFFFE000  }
0x28f: {  	_ =	sfence.sel $0x180000  }
0x290: {  	[bflag:$0x0] =	sbarrier.arrive $0xFFFF  }
0x291: {  	_ =	strace $0x90000047  }
0x292: {  	s0 =	stileid.u32;
	[bflag:$0x2] =	sbarrier.arrive $0xFFFF  }
0x293: {  	p0 =	sne.s32 s0, $0x0;
	s0 =	rddreg [dreg:$0x4]  }
0x294: {  	s0 =	sadd.s32 @!p0 $0x100000, s0  }
0x295: {  	[sflag:s0] =	ssyncadd.tile.s32 @!p0 $0x1;
	_ =	shalt  }
.Lfunc_end2:
_tile_overlayer_lowered:
.L_overlay_start_2:
0x296: {  	(tag) =	ssettag $0x2  }
0x297: {  	s0 =	rddreg [dreg:$0x0];
	s2 =	stileid.u32  }
0x298: {  	s1 =	rddreg [dreg:$0x1];
	p0 =	sne.s32 s2, $0x0  }
0x299: {  	s3 =	rddreg [dreg:$0x2];
	[bflag:$0x3] =	sbarrier.arrive $0xFFFF;
	s2 =	simm.s32 @!p0 $0x1C03  }
0x29a: {  	[timem:s3], [sflag:s2] =	dma.local @!p0 [hbm:s0], s1  }
0x29b: {  	s0 =	simm.s32 @!p0 $0x3  }
0x29c: {  	_ =	swait.ge @!p0 [sflag:s0], s1  }
0x29d: {  	s1 =	ssub.s32 @!p0 $0x0, s1;
	[sflag:s0] =	ssyncset.done @!p0 $0x0  }
0x29e: {  	[sflag:s0] =	ssyncadd.s32 @!p0 s1  }
0x29f: {  	[bflag:$0x3] =	sbarrier.arrive $0xFFFF  }
0x2a0: {  	_ =	shalt  }

</sc_bundles>
